<compile_context>
chip_gen: v7x
topology: tpu7x:2x2x1
jax: 0.10.2.dev20260603
libtpu: 0.0.44.dev20260713+nightly
codegen_flags: <defaults>
</compile_context>

<pallas_src>
import functools

import jax
import jax.numpy as jnp
from jax import lax
from jax.experimental import pallas as pl
from jax.experimental.pallas import tpu as pltpu
from jax.experimental.pallas import tpu_sc as plsc

N_NODES = 10000
N_EDGES = 320000
IN_CH = 128
OUT_CH = 64

NC = 2
NS = 16
NW = NC * NS
NP = 10240
EPW = N_EDGES // NW
CH = 80
NCHUNK = EPW // CH
SLICE = NP // NS

_mesh = plsc.VectorSubcoreMesh(
    core_axis_name="c", subcore_axis_name="s", num_cores=NC, num_subcores=NS)


@functools.partial(
    pl.kernel,
    out_type=jax.ShapeDtypeStruct((NC, NP), jnp.float32),
    mesh=_mesh,
    scratch_types=[
        pltpu.VMEM((NCHUNK, CH), jnp.int32),
        pltpu.VMEM((NP,), jnp.float32),
        pltpu.VMEM_SHARED((NS, NP), jnp.float32),
        pltpu.VMEM((SLICE,), jnp.float32),
        pltpu.VMEM((SLICE,), jnp.float32),
        pltpu.VMEM((SLICE,), jnp.float32),
        pltpu.SemaphoreType.DMA,
        pltpu.SemaphoreType.DMA,
        pltpu.SemaphoreType.DMA,
    ],
    compiler_params=pltpu.CompilerParams(
        needs_layout_passes=False, use_tc_tiling_on_sc=False),
)
def _degree_kernel(e3_hbm, out_hbm, dstall, hist, shared, acc, tmp0, tmp1,
                   si, st0, st1):
    c = lax.axis_index("c")
    s = lax.axis_index("s")
    wid = s * NC + c
    zeros16 = jnp.zeros((16,), jnp.float32)
    ones16 = jnp.ones((16,), jnp.float32)

    pltpu.async_copy(e3_hbm.at[1, wid], dstall, si)

    def zero_hist(i, _):
        hist[pl.ds(i * 16, 16)] = zeros16
        return ()
    lax.fori_loop(0, NP // 16, zero_hist, ())
    pltpu.make_async_copy(e3_hbm.at[1, wid], dstall, si).wait()

    def outer(j, _):
        def inner(k, _):
            idx = dstall[j, pl.ds(k * 16, 16)]
            plsc.addupdate_scatter(hist, [idx], ones16)
            return ()
        lax.fori_loop(0, CH // 16, inner, ())
        return ()
    lax.fori_loop(0, NCHUNK, outer, ())

    pltpu.sync_copy(hist, shared.at[s])
    plsc.subcore_barrier()

    def zero_acc(i, _):
        acc[pl.ds(i * 16, 16)] = zeros16
        return ()
    lax.fori_loop(0, SLICE // 16, zero_acc, ())

    sl = pl.ds(s * SLICE, SLICE)
    pltpu.async_copy(shared.at[0, sl], tmp0, st0)
    pltpu.async_copy(shared.at[1, sl], tmp1, st1)

    def red_step(j, tmp, st):
        pltpu.make_async_copy(shared.at[j, sl], tmp, st).wait()

        def add_vec(i, _):
            v = pl.ds(i * 16, 16)
            acc[v] = acc[v] + tmp[v]
            return ()
        lax.fori_loop(0, SLICE // 16, add_vec, ())

        @pl.when(j + 2 < NS)
        def _():
            pltpu.async_copy(shared.at[j + 2, sl], tmp, st)

    def red_body(j, _):
        red_step(2 * j, tmp0, st0)
        red_step(2 * j + 1, tmp1, st1)
        return ()
    lax.fori_loop(0, NS // 2, red_body, ())

    pltpu.sync_copy(acc, out_hbm.at[c, sl])


@functools.partial(
    pl.kernel,
    out_type=jax.ShapeDtypeStruct((NC, NP, OUT_CH), jnp.float32),
    mesh=_mesh,
    scratch_types=[
        pltpu.VMEM((NCHUNK, CH), jnp.int32),
        pltpu.VMEM((NCHUNK, CH), jnp.int32),
        pltpu.VMEM((CH, OUT_CH), jnp.float32),
        pltpu.VMEM((CH, OUT_CH), jnp.float32),
        pltpu.VMEM((CH, OUT_CH), jnp.float32),
        pltpu.VMEM((SLICE, OUT_CH), jnp.float32),
        pltpu.VMEM_SHARED((NP, OUT_CH), jnp.float32),
        pltpu.SemaphoreType.DMA,
        pltpu.SemaphoreType.DMA,
        pltpu.SemaphoreType.DMA,
        pltpu.SemaphoreType.DMA,
        pltpu.SemaphoreType.DMA,
        pltpu.SemaphoreType.DMA,
        pltpu.SemaphoreType.DMA,
        pltpu.SemaphoreType.DMA,
    ],
    compiler_params=pltpu.CompilerParams(
        needs_layout_passes=False, use_tc_tiling_on_sc=False),
)
def _aggregate_kernel(g_hbm, e3_hbm, out_hbm,
                      srcall, dstall, rows0, rows1, rows2, tmp, acc,
                      si0, si1, sg0, sg1, sg2, ss0, ss1, ss2):
    c = lax.axis_index("c")
    s = lax.axis_index("s")
    wid = s * NC + c
    zeros16 = jnp.zeros((16,), jnp.float32)

    rows = (rows0, rows1, rows2)
    sg = (sg0, sg1, sg2)
    ss = (ss0, ss1, ss2)

    pltpu.async_copy(e3_hbm.at[0, wid], srcall, si0)
    pltpu.async_copy(e3_hbm.at[1, wid], dstall, si1)

    def zero_row(i, _):
        def zero_col(j, _):
            tmp[i, pl.ds(j * 16, 16)] = zeros16
            return ()
        lax.fori_loop(0, OUT_CH // 16, zero_col, ())
        return ()
    lax.fori_loop(0, SLICE, zero_row, ())
    pltpu.sync_copy(tmp, acc.at[pl.ds(s * SLICE, SLICE)])
    plsc.subcore_barrier()

    pltpu.make_async_copy(e3_hbm.at[0, wid], srcall, si0).wait()
    pltpu.make_async_copy(e3_hbm.at[1, wid], dstall, si1).wait()
    pltpu.async_copy(g_hbm.at[srcall.at[0]], rows0, sg0)
    pltpu.async_copy(g_hbm.at[srcall.at[1]], rows1, sg1)

    def wait_gather(a, b):
        pltpu.make_async_copy(g_hbm.at[srcall.at[a]], rows[b], sg[b]).wait()

    def issue_scatter(a, b):
        pltpu.async_copy(rows[b], acc.at[dstall.at[a]], ss[b], add=True)

    def wait_scatter(a, b):
        pltpu.make_async_copy(rows[b], acc.at[dstall.at[a]], ss[b]).wait()

    def issue_gather(a, b):
        @pl.when(a < NCHUNK)
        def _():
            pltpu.async_copy(g_hbm.at[srcall.at[a]], rows[b], sg[b])

    wait_gather(0, 0)
    issue_scatter(0, 0)
    issue_gather(2, 2)

    def step(i, b, bprev):
        wait_gather(i, b)
        issue_scatter(i, b)
        wait_scatter(i - 1, bprev)
        issue_gather(i + 2, bprev)

    def body(j, _):
        i = 3 * j + 1
        step(i, 1, 0)
        step(i + 1, 2, 1)
        step(i + 2, 0, 2)
        return ()
    lax.fori_loop(0, (NCHUNK - 2) // 3, body, ())

    wait_gather(NCHUNK - 1, 1)
    issue_scatter(NCHUNK - 1, 1)
    wait_scatter(NCHUNK - 2, 0)
    wait_scatter(NCHUNK - 1, 1)

    plsc.subcore_barrier()
    pltpu.sync_copy(acc.at[pl.ds(s * SLICE, SLICE)], tmp)
    pltpu.sync_copy(tmp, out_hbm.at[c, pl.ds(s * SLICE, SLICE)])


def _encode_body(x_ref, w_ref, dis_ref, g_ref):
    h = jnp.dot(x_ref[...], w_ref[...], preferred_element_type=jnp.float32)
    g_ref[...] = h * dis_ref[...].reshape(N_NODES, 1)


def _encode(x, w, dis):
    return pl.pallas_call(
        _encode_body,
        out_shape=jax.ShapeDtypeStruct((N_NODES, OUT_CH), jnp.float32),
    )(x, w, dis)


_NLV = N_NODES * OUT_CH // 128


def _final_body(p_ref, g_ref, d0_ref, d1_ref, b_ref, o_ref):
    q = p_ref[0, :_NLV] + p_ref[1, :_NLV] + g_ref[...]
    d0 = jnp.broadcast_to(d0_ref[...].reshape(_NLV, 1), (_NLV, OUT_CH))
    d1 = jnp.broadcast_to(d1_ref[...].reshape(_NLV, 1), (_NLV, OUT_CH))
    d = jnp.concatenate([d0, d1], axis=1)
    o_ref[...] = d * q + b_ref[...]


def _finalize(partial128, g128, dis0, dis1, b128):
    return pl.pallas_call(
        _final_body,
        out_shape=jax.ShapeDtypeStruct((_NLV, 128), jnp.float32),
    )(partial128, g128, dis0, dis1, b128)


@jax.jit
def kernel(x, edge_index, W, b):
    e3 = edge_index.astype(jnp.int32).reshape(2, NW, NCHUNK, CH)

    hist2 = _degree_kernel(e3)
    deg = hist2[0, :N_NODES] + hist2[1, :N_NODES] + 1.0
    dis = lax.rsqrt(deg)

    g = _encode(x, W, dis)
    partial = _aggregate_kernel(g, e3)
    partial128 = partial.reshape(NC, NP * OUT_CH // 128, 128)
    g128 = g.reshape(_NLV, 128)
    b128 = jnp.concatenate([b, b]).reshape(1, 128)
    o128 = _finalize(partial128, g128, dis[0::2], dis[1::2], b128)
    return o128.reshape(N_NODES, OUT_CH)

# --- scband reference (transcript-rebuilt; emitter-appended) ---
"""Pipeline reference for scband-linear-encoder-46093589021378 (READ-ONLY COPY).

The authoritative reference and input builder live on the scoring server;
editing this copy changes nothing except your own understanding.
"""

import jax, jax.numpy as jnp
import numpy as np

N_NODES = 10000
N_EDGES = 320000
IN_CH = 128
OUT_CH = 64


def setup_inputs(seed: int = 0) -> dict:
    key = jax.random.key(seed)
    k1, k2, k3, k4 = jax.random.split(key, 4)
    x = jax.random.normal(k1, (N_NODES, IN_CH), dtype=jnp.float32)
    edge_index = jax.random.randint(k2, (2, N_EDGES), 0, N_NODES, dtype=jnp.int64)
    # GCNConv learned parameters (glorot init for weight, zeros for bias, as in PyG)
    limit = float(np.sqrt(6.0 / (IN_CH + OUT_CH)))
    W = jax.random.uniform(k3, (IN_CH, OUT_CH), dtype=jnp.float32, minval=-limit, maxval=limit)
    b = jnp.zeros((OUT_CH,), dtype=jnp.float32)
    return {"x": x, "edge_index": edge_index, "W": W, "b": b}


def reference(x, edge_index, W, b):
    # Faithful GCNConv (Kipf & Welling) as in torch_geometric:
    # 1) linear transform, 2) add self-loops, 3) symmetric degree normalization,
    # 4) scatter-add aggregation over destination nodes, 5) add bias.
    N = x.shape[0]
    src = edge_index[0]
    dst = edge_index[1]
    loop = jnp.arange(N, dtype=edge_index.dtype)
    src = jnp.concatenate([src, loop])
    dst = jnp.concatenate([dst, loop])
    # degree computed over destination (col) with unit edge weights
    deg = jnp.zeros((N,), dtype=x.dtype).at[dst].add(1.0)
    deg_inv_sqrt = jnp.where(deg > 0, jax.lax.rsqrt(deg), 0.0)
    norm = deg_inv_sqrt[src] * deg_inv_sqrt[dst]
    h = x @ W
    msg = h[src] * norm[:, None]
    out = jnp.zeros((N, W.shape[1]), dtype=x.dtype).at[dst].add(msg)
    return out + b

if __name__ == "__main__":
    import jax
    _d = setup_inputs()
    print(jax.jit(kernel)(*tuple(_d.values())))

</pallas_src>

<mosaic_0001>
#map = affine_map<(d0, d1) -> (0, 0)>
#map1 = affine_map<(d0, d1) -> (0, 0, 0, 0)>
#map2 = affine_map<(d0, d1) -> (0, 0, 0)>
module attributes {stable_mosaic.version = 14 : i64} {
  func.func @_aggregate_kernel(%arg0: i32, %arg1: i32, %arg2: memref<10000x64xf32, #tpu.memory_space<hbm>>, %arg3: memref<2x32x125x80xi32, #tpu.memory_space<hbm>>, %arg4: memref<2x10240x64xf32, #tpu.memory_space<hbm>>, %arg5: memref<125x80xi32, #tpu.memory_space<vmem>>, %arg6: memref<125x80xi32, #tpu.memory_space<vmem>>, %arg7: memref<80x64xf32, #tpu.memory_space<vmem>>, %arg8: memref<80x64xf32, #tpu.memory_space<vmem>>, %arg9: memref<80x64xf32, #tpu.memory_space<vmem>>, %arg10: memref<640x64xf32, #tpu.memory_space<vmem>>, %arg11: memref<10240x64xf32, #tpu.memory_space<vmem_shared>>, %arg12: memref<!tpu.dma_semaphore, #tpu.memory_space<semaphore_mem>>, %arg13: memref<!tpu.dma_semaphore, #tpu.memory_space<semaphore_mem>>, %arg14: memref<!tpu.dma_semaphore, #tpu.memory_space<semaphore_mem>>, %arg15: memref<!tpu.dma_semaphore, #tpu.memory_space<semaphore_mem>>, %arg16: memref<!tpu.dma_semaphore, #tpu.memory_space<semaphore_mem>>, %arg17: memref<!tpu.dma_semaphore, #tpu.memory_space<semaphore_mem>>, %arg18: memref<!tpu.dma_semaphore, #tpu.memory_space<semaphore_mem>>, %arg19: memref<!tpu.dma_semaphore, #tpu.memory_space<semaphore_mem>>) attributes {dimension_semantics = [#tpu.dimension_semantics<core_parallel>, #tpu.dimension_semantics<subcore_parallel>], iteration_bounds = array<i64: 2, 16>, scalar_prefetch = 0 : i64, scratch_operands = 15 : i64, tpu.core_type = #tpu.core_type<sc_vector_subcore>, window_params = [{transform_indices = #map}, {transform_indices = #map1}, {transform_indices = #map2}]} {
    %mul3A = arith.constant 2 : i32
    %mul3A_0 = arith.muli %arg1, %mul3A : i32
    %add3A = arith.addi %mul3A_0, %arg0 : i32
    %broadcast_in_dim3A = arith.constant 0.000000e+00 : f32
    %broadcast_in_dim3A_1 = vector.broadcast %broadcast_in_dim3A : f32 to vector<16xf32>
    %dma_start3A = arith.constant 0 : i32
    %dma_start3A_2 = arith.constant 0 : i32
    %dma_start3A_3 = arith.constant 0 : i32
    %dma_start3A_4 = tpu.memref_slice %arg3[%dma_start3A, %add3A, %dma_start3A_2, %dma_start3A_3] : memref<2x32x125x80xi32, #tpu.memory_space<hbm>> -> memref<1x1x125x80xi32, #tpu.memory_space<hbm>>
    %dma_start3A_5 = tpu.memref_squeeze %dma_start3A_4 : memref<1x1x125x80xi32, #tpu.memory_space<hbm>> -> memref<125x80xi32, #tpu.memory_space<hbm>>
    %dma_start3A_6 = arith.constant 0 : i32
    %dma_start3A_7 = arith.constant 0 : i32
    %dma_start3A_8 = tpu.memref_slice %arg3[%dma_start3A, %add3A, %dma_start3A_6, %dma_start3A_7] : memref<2x32x125x80xi32, #tpu.memory_space<hbm>> -> memref<1x1x125x80xi32, #tpu.memory_space<hbm>>
    %dma_start3A_9 = tpu.memref_squeeze %dma_start3A_8 : memref<1x1x125x80xi32, #tpu.memory_space<hbm>> -> memref<125x80xi32, #tpu.memory_space<hbm>>
    tpu.enqueue_dma source(%dma_start3A_9 : memref<125x80xi32, #tpu.memory_space<hbm>>) target(%arg5 : memref<125x80xi32, #tpu.memory_space<vmem>>) target_semaphore(%arg12 : memref<!tpu.dma_semaphore, #tpu.memory_space<semaphore_mem>>)
    %dma_start3A_10 = arith.constant 1 : i32
    %dma_start3A_11 = arith.constant 0 : i32
    %dma_start3A_12 = arith.constant 0 : i32
    %dma_start3A_13 = tpu.memref_slice %arg3[%dma_start3A_10, %add3A, %dma_start3A_11, %dma_start3A_12] : memref<2x32x125x80xi32, #tpu.memory_space<hbm>> -> memref<1x1x125x80xi32, #tpu.memory_space<hbm>>
    %dma_start3A_14 = tpu.memref_squeeze %dma_start3A_13 : memref<1x1x125x80xi32, #tpu.memory_space<hbm>> -> memref<125x80xi32, #tpu.memory_space<hbm>>
    %dma_start3A_15 = arith.constant 0 : i32
    %dma_start3A_16 = arith.constant 0 : i32
    %dma_start3A_17 = tpu.memref_slice %arg3[%dma_start3A_10, %add3A, %dma_start3A_15, %dma_start3A_16] : memref<2x32x125x80xi32, #tpu.memory_space<hbm>> -> memref<1x1x125x80xi32, #tpu.memory_space<hbm>>
    %dma_start3A_18 = tpu.memref_squeeze %dma_start3A_17 : memref<1x1x125x80xi32, #tpu.memory_space<hbm>> -> memref<125x80xi32, #tpu.memory_space<hbm>>
    tpu.enqueue_dma source(%dma_start3A_18 : memref<125x80xi32, #tpu.memory_space<hbm>>) target(%arg6 : memref<125x80xi32, #tpu.memory_space<vmem>>) target_semaphore(%arg13 : memref<!tpu.dma_semaphore, #tpu.memory_space<semaphore_mem>>)
    %scan3A = arith.constant 0 : i32
    %scan3A_19 = arith.constant 640 : i32
    %scan3A_20 = arith.addi %scan3A, %scan3A_19 : i32
    %scan3A_21 = arith.constant 1 : i32
    scf.for %scan3A_115 = %scan3A to %scan3A_20 step %scan3A_21  : i32 {
      %scan3A_116 = arith.constant 0 : i32
      %scan3A_117 = arith.constant 4 : i32
      %scan3A_118 = arith.addi %scan3A_116, %scan3A_117 : i32
      %scan3A_119 = arith.constant 1 : i32
      scf.for %scan3A_121 = %scan3A_116 to %scan3A_118 step %scan3A_119  : i32 {
        %mul3A_122 = arith.constant 16 : i32
        %mul3A_123 = arith.muli %scan3A_121, %mul3A_122 : i32
        %swap3A = arith.index_cast %scan3A_115 : i32 to index
        %swap3A_124 = arith.index_cast %mul3A_123 : i32 to index
        %swap3A_125 = tpu.vector_load %arg10[%swap3A, %swap3A_124] {strides = array<i32>} : memref<640x64xf32, #tpu.memory_space<vmem>>, vector<16xf32>,
        tpu.vector_store %arg10[%swap3A, %swap3A_124], %broadcast_in_dim3A_1 {strides = array<i32>} : memref<640x64xf32, #tpu.memory_space<vmem>>, vector<16xf32>,
      }
      %scan3A_120 = arith.constant 4 : i32
    }
    %scan3A_22 = arith.constant 640 : i32
    %mul3A_23 = arith.constant 640 : i32
    %mul3A_24 = arith.muli %arg1, %mul3A_23 : i32
    "tpu.region"() ({
      %run_scoped3A = tpu.sem_alloc : memref<!tpu.dma_semaphore, #tpu.memory_space<semaphore_mem>>
      %dma_start3A_115 = arith.constant 0 : i32
      %dma_start3A_116 = tpu.memref_slice %arg11[%mul3A_24, %dma_start3A_115] : memref<10240x64xf32, #tpu.memory_space<vmem_shared>> -> memref<640x64xf32, #tpu.memory_space<vmem_shared>>
      %dma_start3A_117 = arith.constant 0 : i32
      %dma_start3A_118 = tpu.memref_slice %arg11[%mul3A_24, %dma_start3A_117] : memref<10240x64xf32, #tpu.memory_space<vmem_shared>> -> memref<640x64xf32, #tpu.memory_space<vmem_shared>>
      tpu.enqueue_dma source(%arg10 : memref<640x64xf32, #tpu.memory_space<vmem>>) target(%dma_start3A_118 : memref<640x64xf32, #tpu.memory_space<vmem_shared>>) target_semaphore(%run_scoped3A : memref<!tpu.dma_semaphore, #tpu.memory_space<semaphore_mem>>)
      %dma_wait3A_119 = arith.constant 0 : i32
      %dma_wait3A_120 = tpu.memref_slice %arg11[%mul3A_24, %dma_wait3A_119] : memref<10240x64xf32, #tpu.memory_space<vmem_shared>> -> memref<640x64xf32, #tpu.memory_space<vmem_shared>>
      %dma_wait3A_121 = arith.constant 0 : i32
      %dma_wait3A_122 = tpu.memref_slice %arg11[%mul3A_24, %dma_wait3A_121] : memref<10240x64xf32, #tpu.memory_space<vmem_shared>> -> memref<640x64xf32, #tpu.memory_space<vmem_shared>>
      tpu.wait_dma2 semaphore(%run_scoped3A : memref<!tpu.dma_semaphore, #tpu.memory_space<semaphore_mem>>) src(%arg10 : memref<640x64xf32, #tpu.memory_space<vmem>>) dst(%dma_wait3A_122 : memref<640x64xf32, #tpu.memory_space<vmem_shared>>)
      tpu.yield
    }) : () -> ()
    %barrier3A = arith.constant 0 : index
    tpu.barrier barrier_id(%barrier3A)
    %dma_wait3A = arith.constant 0 : i32
    %dma_wait3A_25 = arith.constant 0 : i32
    %dma_wait3A_26 = arith.constant 0 : i32
    %dma_wait3A_27 = tpu.memref_slice %arg3[%dma_wait3A, %add3A, %dma_wait3A_25, %dma_wait3A_26] : memref<2x32x125x80xi32, #tpu.memory_space<hbm>> -> memref<1x1x125x80xi32, #tpu.memory_space<hbm>>
    %dma_wait3A_28 = tpu.memref_squeeze %dma_wait3A_27 : memref<1x1x125x80xi32, #tpu.memory_space<hbm>> -> memref<125x80xi32, #tpu.memory_space<hbm>>
    %dma_wait3A_29 = arith.constant 0 : i32
    %dma_wait3A_30 = arith.constant 0 : i32
    %dma_wait3A_31 = tpu.memref_slice %arg3[%dma_wait3A, %add3A, %dma_wait3A_29, %dma_wait3A_30] : memref<2x32x125x80xi32, #tpu.memory_space<hbm>> -> memref<1x1x125x80xi32, #tpu.memory_space<hbm>>
    %dma_wait3A_32 = tpu.memref_squeeze %dma_wait3A_31 : memref<1x1x125x80xi32, #tpu.memory_space<hbm>> -> memref<125x80xi32, #tpu.memory_space<hbm>>
    tpu.wait_dma2 semaphore(%arg12 : memref<!tpu.dma_semaphore, #tpu.memory_space<semaphore_mem>>) src(%dma_wait3A_32 : memref<125x80xi32, #tpu.memory_space<hbm>>) dst(%arg5 : memref<125x80xi32, #tpu.memory_space<vmem>>)
    %dma_wait3A_33 = arith.constant 1 : i32
    %dma_wait3A_34 = arith.constant 0 : i32
    %dma_wait3A_35 = arith.constant 0 : i32
    %dma_wait3A_36 = tpu.memref_slice %arg3[%dma_wait3A_33, %add3A, %dma_wait3A_34, %dma_wait3A_35] : memref<2x32x125x80xi32, #tpu.memory_space<hbm>> -> memref<1x1x125x80xi32, #tpu.memory_space<hbm>>
    %dma_wait3A_37 = tpu.memref_squeeze %dma_wait3A_36 : memref<1x1x125x80xi32, #tpu.memory_space<hbm>> -> memref<125x80xi32, #tpu.memory_space<hbm>>
    %dma_wait3A_38 = arith.constant 0 : i32
    %dma_wait3A_39 = arith.constant 0 : i32
    %dma_wait3A_40 = tpu.memref_slice %arg3[%dma_wait3A_33, %add3A, %dma_wait3A_38, %dma_wait3A_39] : memref<2x32x125x80xi32, #tpu.memory_space<hbm>> -> memref<1x1x125x80xi32, #tpu.memory_space<hbm>>
    %dma_wait3A_41 = tpu.memref_squeeze %dma_wait3A_40 : memref<1x1x125x80xi32, #tpu.memory_space<hbm>> -> memref<125x80xi32, #tpu.memory_space<hbm>>
    tpu.wait_dma2 semaphore(%arg13 : memref<!tpu.dma_semaphore, #tpu.memory_space<semaphore_mem>>) src(%dma_wait3A_41 : memref<125x80xi32, #tpu.memory_space<hbm>>) dst(%arg6 : memref<125x80xi32, #tpu.memory_space<vmem>>)
    %dma_start3A_42 = arith.constant 0 : i32
    %dma_start3A_43 = arith.constant 0 : i32
    %dma_start3A_44 = tpu.memref_slice %arg5[%dma_start3A_42, %dma_start3A_43] : memref<125x80xi32, #tpu.memory_space<vmem>> -> memref<1x80xi32, #tpu.memory_space<vmem>>
    %dma_start3A_45 = tpu.memref_squeeze %dma_start3A_44 : memref<1x80xi32, #tpu.memory_space<vmem>> -> memref<80xi32, #tpu.memory_space<vmem>>
    %dma_start3A_46 = arith.constant 0 : i32
    %dma_start3A_47 = arith.constant 0 : i32
    %dma_start3A_48 = tpu.memref_slice %arg2[%dma_start3A_46, %dma_start3A_47] : memref<10000x64xf32, #tpu.memory_space<hbm>> -> memref<10000x64xf32, #tpu.memory_space<hbm>>
    tpu.enqueue_indirect_dma source(%dma_start3A_48 : memref<10000x64xf32, #tpu.memory_space<hbm>>) target(%arg7 : memref<80x64xf32, #tpu.memory_space<vmem>>) offsets(%dma_start3A_45 : memref<80xi32, #tpu.memory_space<vmem>>) semaphore(%arg14 : memref<!tpu.dma_semaphore, #tpu.memory_space<semaphore_mem>>)
    %dma_start3A_49 = arith.constant 1 : i32
    %dma_start3A_50 = arith.constant 0 : i32
    %dma_start3A_51 = tpu.memref_slice %arg5[%dma_start3A_49, %dma_start3A_50] : memref<125x80xi32, #tpu.memory_space<vmem>> -> memref<1x80xi32, #tpu.memory_space<vmem>>
    %dma_start3A_52 = tpu.memref_squeeze %dma_start3A_51 : memref<1x80xi32, #tpu.memory_space<vmem>> -> memref<80xi32, #tpu.memory_space<vmem>>
    %dma_start3A_53 = arith.constant 0 : i32
    %dma_start3A_54 = arith.constant 0 : i32
    %dma_start3A_55 = tpu.memref_slice %arg2[%dma_start3A_53, %dma_start3A_54] : memref<10000x64xf32, #tpu.memory_space<hbm>> -> memref<10000x64xf32, #tpu.memory_space<hbm>>
    tpu.enqueue_indirect_dma source(%dma_start3A_55 : memref<10000x64xf32, #tpu.memory_space<hbm>>) target(%arg8 : memref<80x64xf32, #tpu.memory_space<vmem>>) offsets(%dma_start3A_52 : memref<80xi32, #tpu.memory_space<vmem>>) semaphore(%arg15 : memref<!tpu.dma_semaphore, #tpu.memory_space<semaphore_mem>>)
    %dma_wait3A_56 = arith.constant 0 : i32
    %dma_wait3A_57 = arith.constant 0 : i32
    %dma_wait3A_58 = tpu.memref_slice %arg5[%dma_wait3A_56, %dma_wait3A_57] : memref<125x80xi32, #tpu.memory_space<vmem>> -> memref<1x80xi32, #tpu.memory_space<vmem>>
    %dma_wait3A_59 = tpu.memref_squeeze %dma_wait3A_58 : memref<1x80xi32, #tpu.memory_space<vmem>> -> memref<80xi32, #tpu.memory_space<vmem>>
    %dma_wait3A_60 = arith.constant 0 : i32
    %dma_wait3A_61 = arith.constant 0 : i32
    %dma_wait3A_62 = tpu.memref_slice %arg2[%dma_wait3A_60, %dma_wait3A_61] : memref<10000x64xf32, #tpu.memory_space<hbm>> -> memref<10000x64xf32, #tpu.memory_space<hbm>>
    tpu.wait_indirect_dma semaphore(%arg14 : memref<!tpu.dma_semaphore, #tpu.memory_space<semaphore_mem>>) src(%dma_wait3A_62 : memref<10000x64xf32, #tpu.memory_space<hbm>>) dst(%arg7 : memref<80x64xf32, #tpu.memory_space<vmem>>)
    %dma_start3A_63 = arith.constant 0 : i32
    %dma_start3A_64 = arith.constant 0 : i32
    %dma_start3A_65 = tpu.memref_slice %arg6[%dma_start3A_63, %dma_start3A_64] : memref<125x80xi32, #tpu.memory_space<vmem>> -> memref<1x80xi32, #tpu.memory_space<vmem>>
    %dma_start3A_66 = tpu.memref_squeeze %dma_start3A_65 : memref<1x80xi32, #tpu.memory_space<vmem>> -> memref<80xi32, #tpu.memory_space<vmem>>
    %dma_start3A_67 = arith.constant 0 : i32
    %dma_start3A_68 = arith.constant 0 : i32
    %dma_start3A_69 = tpu.memref_slice %arg11[%dma_start3A_67, %dma_start3A_68] : memref<10240x64xf32, #tpu.memory_space<vmem_shared>> -> memref<10240x64xf32, #tpu.memory_space<vmem_shared>>
    tpu.enqueue_indirect_dma source(%arg7 : memref<80x64xf32, #tpu.memory_space<vmem>>) target(%dma_start3A_69 : memref<10240x64xf32, #tpu.memory_space<vmem_shared>>) offsets(%dma_start3A_66 : memref<80xi32, #tpu.memory_space<vmem>>) semaphore(%arg17 : memref<!tpu.dma_semaphore, #tpu.memory_space<semaphore_mem>>) {add = true}
    %dma_start3A_70 = arith.constant 2 : i32
    %dma_start3A_71 = arith.constant 0 : i32
    %dma_start3A_72 = tpu.memref_slice %arg5[%dma_start3A_70, %dma_start3A_71] : memref<125x80xi32, #tpu.memory_space<vmem>> -> memref<1x80xi32, #tpu.memory_space<vmem>>
    %dma_start3A_73 = tpu.memref_squeeze %dma_start3A_72 : memref<1x80xi32, #tpu.memory_space<vmem>> -> memref<80xi32, #tpu.memory_space<vmem>>
    %dma_start3A_74 = arith.constant 0 : i32
    %dma_start3A_75 = arith.constant 0 : i32
    %dma_start3A_76 = tpu.memref_slice %arg2[%dma_start3A_74, %dma_start3A_75] : memref<10000x64xf32, #tpu.memory_space<hbm>> -> memref<10000x64xf32, #tpu.memory_space<hbm>>
    tpu.enqueue_indirect_dma source(%dma_start3A_76 : memref<10000x64xf32, #tpu.memory_space<hbm>>) target(%arg9 : memref<80x64xf32, #tpu.memory_space<vmem>>) offsets(%dma_start3A_73 : memref<80xi32, #tpu.memory_space<vmem>>) semaphore(%arg16 : memref<!tpu.dma_semaphore, #tpu.memory_space<semaphore_mem>>)
    %scan3A_77 = arith.constant 0 : i32
    %scan3A_78 = arith.constant 41 : i32
    %scan3A_79 = arith.addi %scan3A_77, %scan3A_78 : i32
    %scan3A_80 = arith.constant 1 : i32
    scf.for %scan3A_115 = %scan3A_77 to %scan3A_79 step %scan3A_80  : i32 {
      %mul3A_116 = arith.constant 3 : i32
      %mul3A_117 = arith.muli %mul3A_116, %scan3A_115 : i32
      %add3A_118 = arith.constant 1 : i32
      %add3A_119 = arith.addi %mul3A_117, %add3A_118 : i32
      %dma_wait3A_120 = arith.constant 0 : i32
      %dma_wait3A_121 = tpu.memref_slice %arg5[%add3A_119, %dma_wait3A_120] : memref<125x80xi32, #tpu.memory_space<vmem>> -> memref<1x80xi32, #tpu.memory_space<vmem>>
      %dma_wait3A_122 = tpu.memref_squeeze %dma_wait3A_121 : memref<1x80xi32, #tpu.memory_space<vmem>> -> memref<80xi32, #tpu.memory_space<vmem>>
      %dma_wait3A_123 = arith.constant 0 : i32
      %dma_wait3A_124 = arith.constant 0 : i32
      %dma_wait3A_125 = tpu.memref_slice %arg2[%dma_wait3A_123, %dma_wait3A_124] : memref<10000x64xf32, #tpu.memory_space<hbm>> -> memref<10000x64xf32, #tpu.memory_space<hbm>>
      tpu.wait_indirect_dma semaphore(%arg15 : memref<!tpu.dma_semaphore, #tpu.memory_space<semaphore_mem>>) src(%dma_wait3A_125 : memref<10000x64xf32, #tpu.memory_space<hbm>>) dst(%arg8 : memref<80x64xf32, #tpu.memory_space<vmem>>)
      %dma_start3A_126 = arith.constant 0 : i32
      %dma_start3A_127 = tpu.memref_slice %arg6[%add3A_119, %dma_start3A_126] : memref<125x80xi32, #tpu.memory_space<vmem>> -> memref<1x80xi32, #tpu.memory_space<vmem>>
      %dma_start3A_128 = tpu.memref_squeeze %dma_start3A_127 : memref<1x80xi32, #tpu.memory_space<vmem>> -> memref<80xi32, #tpu.memory_space<vmem>>
      %dma_start3A_129 = arith.constant 0 : i32
      %dma_start3A_130 = arith.constant 0 : i32
      %dma_start3A_131 = tpu.memref_slice %arg11[%dma_start3A_129, %dma_start3A_130] : memref<10240x64xf32, #tpu.memory_space<vmem_shared>> -> memref<10240x64xf32, #tpu.memory_space<vmem_shared>>
      tpu.enqueue_indirect_dma source(%arg8 : memref<80x64xf32, #tpu.memory_space<vmem>>) target(%dma_start3A_131 : memref<10240x64xf32, #tpu.memory_space<vmem_shared>>) offsets(%dma_start3A_128 : memref<80xi32, #tpu.memory_space<vmem>>) semaphore(%arg18 : memref<!tpu.dma_semaphore, #tpu.memory_space<semaphore_mem>>) {add = true}
      %sub3A = arith.constant 1 : i32
      %sub3A_132 = arith.subi %add3A_119, %sub3A : i32
      %dma_wait3A_133 = arith.constant 0 : i32
      %dma_wait3A_134 = tpu.memref_slice %arg6[%sub3A_132, %dma_wait3A_133] : memref<125x80xi32, #tpu.memory_space<vmem>> -> memref<1x80xi32, #tpu.memory_space<vmem>>
      %dma_wait3A_135 = tpu.memref_squeeze %dma_wait3A_134 : memref<1x80xi32, #tpu.memory_space<vmem>> -> memref<80xi32, #tpu.memory_space<vmem>>
      %dma_wait3A_136 = arith.constant 0 : i32
      %dma_wait3A_137 = arith.constant 0 : i32
      %dma_wait3A_138 = tpu.memref_slice %arg11[%dma_wait3A_136, %dma_wait3A_137] : memref<10240x64xf32, #tpu.memory_space<vmem_shared>> -> memref<10240x64xf32, #tpu.memory_space<vmem_shared>>
      tpu.wait_indirect_dma semaphore(%arg17 : memref<!tpu.dma_semaphore, #tpu.memory_space<semaphore_mem>>) src(%arg7 : memref<80x64xf32, #tpu.memory_space<vmem>>) dst(%dma_wait3A_138 : memref<10240x64xf32, #tpu.memory_space<vmem_shared>>)
      %add3A_139 = arith.constant 2 : i32
      %add3A_140 = arith.addi %add3A_119, %add3A_139 : i32
      %lt3A = arith.constant 125 : i32
      %lt3A_141 = arith.cmpi slt, %add3A_140, %lt3A : i32
      %convert_element_type3A = arith.extui %lt3A_141 : i1 to i32
      %cond3A = arith.constant 0 : i32
      %cond3A_142 = arith.cmpi ne, %convert_element_type3A, %cond3A : i32
      scf.if %cond3A_142 {
        %dma_start3A_201 = arith.constant 0 : i32
        %dma_start3A_202 = tpu.memref_slice %arg5[%add3A_140, %dma_start3A_201] : memref<125x80xi32, #tpu.memory_space<vmem>> -> memref<1x80xi32, #tpu.memory_space<vmem>>
        %dma_start3A_203 = tpu.memref_squeeze %dma_start3A_202 : memref<1x80xi32, #tpu.memory_space<vmem>> -> memref<80xi32, #tpu.memory_space<vmem>>
        %dma_start3A_204 = arith.constant 0 : i32
        %dma_start3A_205 = arith.constant 0 : i32
        %dma_start3A_206 = tpu.memref_slice %arg2[%dma_start3A_204, %dma_start3A_205] : memref<10000x64xf32, #tpu.memory_space<hbm>> -> memref<10000x64xf32, #tpu.memory_space<hbm>>
        tpu.enqueue_indirect_dma source(%dma_start3A_206 : memref<10000x64xf32, #tpu.memory_space<hbm>>) target(%arg7 : memref<80x64xf32, #tpu.memory_space<vmem>>) offsets(%dma_start3A_203 : memref<80xi32, #tpu.memory_space<vmem>>) semaphore(%arg14 : memref<!tpu.dma_semaphore, #tpu.memory_space<semaphore_mem>>)
      } else {
      }
      %add3A_143 = arith.constant 1 : i32
      %add3A_144 = arith.addi %add3A_119, %add3A_143 : i32
      %dma_wait3A_145 = arith.constant 0 : i32
      %dma_wait3A_146 = tpu.memref_slice %arg5[%add3A_144, %dma_wait3A_145] : memref<125x80xi32, #tpu.memory_space<vmem>> -> memref<1x80xi32, #tpu.memory_space<vmem>>
      %dma_wait3A_147 = tpu.memref_squeeze %dma_wait3A_146 : memref<1x80xi32, #tpu.memory_space<vmem>> -> memref<80xi32, #tpu.memory_space<vmem>>
      %dma_wait3A_148 = arith.constant 0 : i32
      %dma_wait3A_149 = arith.constant 0 : i32
      %dma_wait3A_150 = tpu.memref_slice %arg2[%dma_wait3A_148, %dma_wait3A_149] : memref<10000x64xf32, #tpu.memory_space<hbm>> -> memref<10000x64xf32, #tpu.memory_space<hbm>>
      tpu.wait_indirect_dma semaphore(%arg16 : memref<!tpu.dma_semaphore, #tpu.memory_space<semaphore_mem>>) src(%dma_wait3A_150 : memref<10000x64xf32, #tpu.memory_space<hbm>>) dst(%arg9 : memref<80x64xf32, #tpu.memory_space<vmem>>)
      %dma_start3A_151 = arith.constant 0 : i32
      %dma_start3A_152 = tpu.memref_slice %arg6[%add3A_144, %dma_start3A_151] : memref<125x80xi32, #tpu.memory_space<vmem>> -> memref<1x80xi32, #tpu.memory_space<vmem>>
      %dma_start3A_153 = tpu.memref_squeeze %dma_start3A_152 : memref<1x80xi32, #tpu.memory_space<vmem>> -> memref<80xi32, #tpu.memory_space<vmem>>
      %dma_start3A_154 = arith.constant 0 : i32
      %dma_start3A_155 = arith.constant 0 : i32
      %dma_start3A_156 = tpu.memref_slice %arg11[%dma_start3A_154, %dma_start3A_155] : memref<10240x64xf32, #tpu.memory_space<vmem_shared>> -> memref<10240x64xf32, #tpu.memory_space<vmem_shared>>
      tpu.enqueue_indirect_dma source(%arg9 : memref<80x64xf32, #tpu.memory_space<vmem>>) target(%dma_start3A_156 : memref<10240x64xf32, #tpu.memory_space<vmem_shared>>) offsets(%dma_start3A_153 : memref<80xi32, #tpu.memory_space<vmem>>) semaphore(%arg19 : memref<!tpu.dma_semaphore, #tpu.memory_space<semaphore_mem>>) {add = true}
      %sub3A_157 = arith.constant 1 : i32
      %sub3A_158 = arith.subi %add3A_144, %sub3A_157 : i32
      %dma_wait3A_159 = arith.constant 0 : i32
      %dma_wait3A_160 = tpu.memref_slice %arg6[%sub3A_158, %dma_wait3A_159] : memref<125x80xi32, #tpu.memory_space<vmem>> -> memref<1x80xi32, #tpu.memory_space<vmem>>
      %dma_wait3A_161 = tpu.memref_squeeze %dma_wait3A_160 : memref<1x80xi32, #tpu.memory_space<vmem>> -> memref<80xi32, #tpu.memory_space<vmem>>
      %dma_wait3A_162 = arith.constant 0 : i32
      %dma_wait3A_163 = arith.constant 0 : i32
      %dma_wait3A_164 = tpu.memref_slice %arg11[%dma_wait3A_162, %dma_wait3A_163] : memref<10240x64xf32, #tpu.memory_space<vmem_shared>> -> memref<10240x64xf32, #tpu.memory_space<vmem_shared>>
      tpu.wait_indirect_dma semaphore(%arg18 : memref<!tpu.dma_semaphore, #tpu.memory_space<semaphore_mem>>) src(%arg8 : memref<80x64xf32, #tpu.memory_space<vmem>>) dst(%dma_wait3A_164 : memref<10240x64xf32, #tpu.memory_space<vmem_shared>>)
      %add3A_165 = arith.constant 2 : i32
      %add3A_166 = arith.addi %add3A_144, %add3A_165 : i32
      %lt3A_167 = arith.constant 125 : i32
      %lt3A_168 = arith.cmpi slt, %add3A_166, %lt3A_167 : i32
      %convert_element_type3A_169 = arith.extui %lt3A_168 : i1 to i32
      %cond3A_170 = arith.constant 0 : i32
      %cond3A_171 = arith.cmpi ne, %convert_element_type3A_169, %cond3A_170 : i32
      scf.if %cond3A_171 {
        %dma_start3A_201 = arith.constant 0 : i32
        %dma_start3A_202 = tpu.memref_slice %arg5[%add3A_166, %dma_start3A_201] : memref<125x80xi32, #tpu.memory_space<vmem>> -> memref<1x80xi32, #tpu.memory_space<vmem>>
        %dma_start3A_203 = tpu.memref_squeeze %dma_start3A_202 : memref<1x80xi32, #tpu.memory_space<vmem>> -> memref<80xi32, #tpu.memory_space<vmem>>
        %dma_start3A_204 = arith.constant 0 : i32
        %dma_start3A_205 = arith.constant 0 : i32
        %dma_start3A_206 = tpu.memref_slice %arg2[%dma_start3A_204, %dma_start3A_205] : memref<10000x64xf32, #tpu.memory_space<hbm>> -> memref<10000x64xf32, #tpu.memory_space<hbm>>
        tpu.enqueue_indirect_dma source(%dma_start3A_206 : memref<10000x64xf32, #tpu.memory_space<hbm>>) target(%arg8 : memref<80x64xf32, #tpu.memory_space<vmem>>) offsets(%dma_start3A_203 : memref<80xi32, #tpu.memory_space<vmem>>) semaphore(%arg15 : memref<!tpu.dma_semaphore, #tpu.memory_space<semaphore_mem>>)
      } else {
      }
      %add3A_172 = arith.constant 2 : i32
      %add3A_173 = arith.addi %add3A_119, %add3A_172 : i32
      %dma_wait3A_174 = arith.constant 0 : i32
      %dma_wait3A_175 = tpu.memref_slice %arg5[%add3A_173, %dma_wait3A_174] : memref<125x80xi32, #tpu.memory_space<vmem>> -> memref<1x80xi32, #tpu.memory_space<vmem>>
      %dma_wait3A_176 = tpu.memref_squeeze %dma_wait3A_175 : memref<1x80xi32, #tpu.memory_space<vmem>> -> memref<80xi32, #tpu.memory_space<vmem>>
      %dma_wait3A_177 = arith.constant 0 : i32
      %dma_wait3A_178 = arith.constant 0 : i32
      %dma_wait3A_179 = tpu.memref_slice %arg2[%dma_wait3A_177, %dma_wait3A_178] : memref<10000x64xf32, #tpu.memory_space<hbm>> -> memref<10000x64xf32, #tpu.memory_space<hbm>>
      tpu.wait_indirect_dma semaphore(%arg14 : memref<!tpu.dma_semaphore, #tpu.memory_space<semaphore_mem>>) src(%dma_wait3A_179 : memref<10000x64xf32, #tpu.memory_space<hbm>>) dst(%arg7 : memref<80x64xf32, #tpu.memory_space<vmem>>)
      %dma_start3A_180 = arith.constant 0 : i32
      %dma_start3A_181 = tpu.memref_slice %arg6[%add3A_173, %dma_start3A_180] : memref<125x80xi32, #tpu.memory_space<vmem>> -> memref<1x80xi32, #tpu.memory_space<vmem>>
      %dma_start3A_182 = tpu.memref_squeeze %dma_start3A_181 : memref<1x80xi32, #tpu.memory_space<vmem>> -> memref<80xi32, #tpu.memory_space<vmem>>
      %dma_start3A_183 = arith.constant 0 : i32
      %dma_start3A_184 = arith.constant 0 : i32
      %dma_start3A_185 = tpu.memref_slice %arg11[%dma_start3A_183, %dma_start3A_184] : memref<10240x64xf32, #tpu.memory_space<vmem_shared>> -> memref<10240x64xf32, #tpu.memory_space<vmem_shared>>
      tpu.enqueue_indirect_dma source(%arg7 : memref<80x64xf32, #tpu.memory_space<vmem>>) target(%dma_start3A_185 : memref<10240x64xf32, #tpu.memory_space<vmem_shared>>) offsets(%dma_start3A_182 : memref<80xi32, #tpu.memory_space<vmem>>) semaphore(%arg17 : memref<!tpu.dma_semaphore, #tpu.memory_space<semaphore_mem>>) {add = true}
      %sub3A_186 = arith.constant 1 : i32
      %sub3A_187 = arith.subi %add3A_173, %sub3A_186 : i32
      %dma_wait3A_188 = arith.constant 0 : i32
      %dma_wait3A_189 = tpu.memref_slice %arg6[%sub3A_187, %dma_wait3A_188] : memref<125x80xi32, #tpu.memory_space<vmem>> -> memref<1x80xi32, #tpu.memory_space<vmem>>
      %dma_wait3A_190 = tpu.memref_squeeze %dma_wait3A_189 : memref<1x80xi32, #tpu.memory_space<vmem>> -> memref<80xi32, #tpu.memory_space<vmem>>
      %dma_wait3A_191 = arith.constant 0 : i32
      %dma_wait3A_192 = arith.constant 0 : i32
      %dma_wait3A_193 = tpu.memref_slice %arg11[%dma_wait3A_191, %dma_wait3A_192] : memref<10240x64xf32, #tpu.memory_space<vmem_shared>> -> memref<10240x64xf32, #tpu.memory_space<vmem_shared>>
      tpu.wait_indirect_dma semaphore(%arg19 : memref<!tpu.dma_semaphore, #tpu.memory_space<semaphore_mem>>) src(%arg9 : memref<80x64xf32, #tpu.memory_space<vmem>>) dst(%dma_wait3A_193 : memref<10240x64xf32, #tpu.memory_space<vmem_shared>>)
      %add3A_194 = arith.constant 2 : i32
      %add3A_195 = arith.addi %add3A_173, %add3A_194 : i32
      %lt3A_196 = arith.constant 125 : i32
      %lt3A_197 = arith.cmpi slt, %add3A_195, %lt3A_196 : i32
      %convert_element_type3A_198 = arith.extui %lt3A_197 : i1 to i32
      %cond3A_199 = arith.constant 0 : i32
      %cond3A_200 = arith.cmpi ne, %convert_element_type3A_198, %cond3A_199 : i32
      scf.if %cond3A_200 {
        %dma_start3A_201 = arith.constant 0 : i32
        %dma_start3A_202 = tpu.memref_slice %arg5[%add3A_195, %dma_start3A_201] : memref<125x80xi32, #tpu.memory_space<vmem>> -> memref<1x80xi32, #tpu.memory_space<vmem>>
        %dma_start3A_203 = tpu.memref_squeeze %dma_start3A_202 : memref<1x80xi32, #tpu.memory_space<vmem>> -> memref<80xi32, #tpu.memory_space<vmem>>
        %dma_start3A_204 = arith.constant 0 : i32
        %dma_start3A_205 = arith.constant 0 : i32
        %dma_start3A_206 = tpu.memref_slice %arg2[%dma_start3A_204, %dma_start3A_205] : memref<10000x64xf32, #tpu.memory_space<hbm>> -> memref<10000x64xf32, #tpu.memory_space<hbm>>
        tpu.enqueue_indirect_dma source(%dma_start3A_206 : memref<10000x64xf32, #tpu.memory_space<hbm>>) target(%arg9 : memref<80x64xf32, #tpu.memory_space<vmem>>) offsets(%dma_start3A_203 : memref<80xi32, #tpu.memory_space<vmem>>) semaphore(%arg16 : memref<!tpu.dma_semaphore, #tpu.memory_space<semaphore_mem>>)
      } else {
      }
    }
    %scan3A_81 = arith.constant 41 : i32
    %dma_wait3A_82 = arith.constant 124 : i32
    %dma_wait3A_83 = arith.constant 0 : i32
    %dma_wait3A_84 = tpu.memref_slice %arg5[%dma_wait3A_82, %dma_wait3A_83] : memref<125x80xi32, #tpu.memory_space<vmem>> -> memref<1x80xi32, #tpu.memory_space<vmem>>
    %dma_wait3A_85 = tpu.memref_squeeze %dma_wait3A_84 : memref<1x80xi32, #tpu.memory_space<vmem>> -> memref<80xi32, #tpu.memory_space<vmem>>
    %dma_wait3A_86 = arith.constant 0 : i32
    %dma_wait3A_87 = arith.constant 0 : i32
    %dma_wait3A_88 = tpu.memref_slice %arg2[%dma_wait3A_86, %dma_wait3A_87] : memref<10000x64xf32, #tpu.memory_space<hbm>> -> memref<10000x64xf32, #tpu.memory_space<hbm>>
    tpu.wait_indirect_dma semaphore(%arg15 : memref<!tpu.dma_semaphore, #tpu.memory_space<semaphore_mem>>) src(%dma_wait3A_88 : memref<10000x64xf32, #tpu.memory_space<hbm>>) dst(%arg8 : memref<80x64xf32, #tpu.memory_space<vmem>>)
    %dma_start3A_89 = arith.constant 124 : i32
    %dma_start3A_90 = arith.constant 0 : i32
    %dma_start3A_91 = tpu.memref_slice %arg6[%dma_start3A_89, %dma_start3A_90] : memref<125x80xi32, #tpu.memory_space<vmem>> -> memref<1x80xi32, #tpu.memory_space<vmem>>
    %dma_start3A_92 = tpu.memref_squeeze %dma_start3A_91 : memref<1x80xi32, #tpu.memory_space<vmem>> -> memref<80xi32, #tpu.memory_space<vmem>>
    %dma_start3A_93 = arith.constant 0 : i32
    %dma_start3A_94 = arith.constant 0 : i32
    %dma_start3A_95 = tpu.memref_slice %arg11[%dma_start3A_93, %dma_start3A_94] : memref<10240x64xf32, #tpu.memory_space<vmem_shared>> -> memref<10240x64xf32, #tpu.memory_space<vmem_shared>>
    tpu.enqueue_indirect_dma source(%arg8 : memref<80x64xf32, #tpu.memory_space<vmem>>) target(%dma_start3A_95 : memref<10240x64xf32, #tpu.memory_space<vmem_shared>>) offsets(%dma_start3A_92 : memref<80xi32, #tpu.memory_space<vmem>>) semaphore(%arg18 : memref<!tpu.dma_semaphore, #tpu.memory_space<semaphore_mem>>) {add = true}
    %dma_wait3A_96 = arith.constant 123 : i32
    %dma_wait3A_97 = arith.constant 0 : i32
    %dma_wait3A_98 = tpu.memref_slice %arg6[%dma_wait3A_96, %dma_wait3A_97] : memref<125x80xi32, #tpu.memory_space<vmem>> -> memref<1x80xi32, #tpu.memory_space<vmem>>
    %dma_wait3A_99 = tpu.memref_squeeze %dma_wait3A_98 : memref<1x80xi32, #tpu.memory_space<vmem>> -> memref<80xi32, #tpu.memory_space<vmem>>
    %dma_wait3A_100 = arith.constant 0 : i32
    %dma_wait3A_101 = arith.constant 0 : i32
    %dma_wait3A_102 = tpu.memref_slice %arg11[%dma_wait3A_100, %dma_wait3A_101] : memref<10240x64xf32, #tpu.memory_space<vmem_shared>> -> memref<10240x64xf32, #tpu.memory_space<vmem_shared>>
    tpu.wait_indirect_dma semaphore(%arg17 : memref<!tpu.dma_semaphore, #tpu.memory_space<semaphore_mem>>) src(%arg7 : memref<80x64xf32, #tpu.memory_space<vmem>>) dst(%dma_wait3A_102 : memref<10240x64xf32, #tpu.memory_space<vmem_shared>>)
    %dma_wait3A_103 = arith.constant 124 : i32
    %dma_wait3A_104 = arith.constant 0 : i32
    %dma_wait3A_105 = tpu.memref_slice %arg6[%dma_wait3A_103, %dma_wait3A_104] : memref<125x80xi32, #tpu.memory_space<vmem>> -> memref<1x80xi32, #tpu.memory_space<vmem>>
    %dma_wait3A_106 = tpu.memref_squeeze %dma_wait3A_105 : memref<1x80xi32, #tpu.memory_space<vmem>> -> memref<80xi32, #tpu.memory_space<vmem>>
    %dma_wait3A_107 = arith.constant 0 : i32
    %dma_wait3A_108 = arith.constant 0 : i32
    %dma_wait3A_109 = tpu.memref_slice %arg11[%dma_wait3A_107, %dma_wait3A_108] : memref<10240x64xf32, #tpu.memory_space<vmem_shared>> -> memref<10240x64xf32, #tpu.memory_space<vmem_shared>>
    tpu.wait_indirect_dma semaphore(%arg18 : memref<!tpu.dma_semaphore, #tpu.memory_space<semaphore_mem>>) src(%arg8 : memref<80x64xf32, #tpu.memory_space<vmem>>) dst(%dma_wait3A_109 : memref<10240x64xf32, #tpu.memory_space<vmem_shared>>)
    %barrier3A_110 = arith.constant 0 : index
    tpu.barrier barrier_id(%barrier3A_110)
    %mul3A_111 = arith.constant 640 : i32
    %mul3A_112 = arith.muli %arg1, %mul3A_111 : i32
    "tpu.region"() ({
      %run_scoped3A = tpu.sem_alloc : memref<!tpu.dma_semaphore, #tpu.memory_space<semaphore_mem>>
      %dma_start3A_115 = arith.constant 0 : i32
      %dma_start3A_116 = tpu.memref_slice %arg11[%mul3A_112, %dma_start3A_115] : memref<10240x64xf32, #tpu.memory_space<vmem_shared>> -> memref<640x64xf32, #tpu.memory_space<vmem_shared>>
      %dma_start3A_117 = arith.constant 0 : i32
      %dma_start3A_118 = tpu.memref_slice %arg11[%mul3A_112, %dma_start3A_117] : memref<10240x64xf32, #tpu.memory_space<vmem_shared>> -> memref<640x64xf32, #tpu.memory_space<vmem_shared>>
      tpu.enqueue_dma source(%dma_start3A_118 : memref<640x64xf32, #tpu.memory_space<vmem_shared>>) target(%arg10 : memref<640x64xf32, #tpu.memory_space<vmem>>) target_semaphore(%run_scoped3A : memref<!tpu.dma_semaphore, #tpu.memory_space<semaphore_mem>>)
      %dma_wait3A_119 = arith.constant 0 : i32
      %dma_wait3A_120 = tpu.memref_slice %arg11[%mul3A_112, %dma_wait3A_119] : memref<10240x64xf32, #tpu.memory_space<vmem_shared>> -> memref<640x64xf32, #tpu.memory_space<vmem_shared>>
      %dma_wait3A_121 = arith.constant 0 : i32
      %dma_wait3A_122 = tpu.memref_slice %arg11[%mul3A_112, %dma_wait3A_121] : memref<10240x64xf32, #tpu.memory_space<vmem_shared>> -> memref<640x64xf32, #tpu.memory_space<vmem_shared>>
      tpu.wait_dma2 semaphore(%run_scoped3A : memref<!tpu.dma_semaphore, #tpu.memory_space<semaphore_mem>>) src(%dma_wait3A_122 : memref<640x64xf32, #tpu.memory_space<vmem_shared>>) dst(%arg10 : memref<640x64xf32, #tpu.memory_space<vmem>>)
      tpu.yield
    }) : () -> ()
    %mul3A_113 = arith.constant 640 : i32
    %mul3A_114 = arith.muli %arg1, %mul3A_113 : i32
    "tpu.region"() ({
      %run_scoped3A = tpu.sem_alloc : memref<!tpu.dma_semaphore, #tpu.memory_space<semaphore_mem>>
      %dma_start3A_115 = arith.constant 0 : i32
      %dma_start3A_116 = tpu.memref_slice %arg4[%arg0, %mul3A_114, %dma_start3A_115] : memref<2x10240x64xf32, #tpu.memory_space<hbm>> -> memref<1x640x64xf32, #tpu.memory_space<hbm>>
      %dma_start3A_117 = tpu.memref_squeeze %dma_start3A_116 : memref<1x640x64xf32, #tpu.memory_space<hbm>> -> memref<640x64xf32, #tpu.memory_space<hbm>>
      %dma_start3A_118 = arith.constant 0 : i32
      %dma_start3A_119 = tpu.memref_slice %arg4[%arg0, %mul3A_114, %dma_start3A_118] : memref<2x10240x64xf32, #tpu.memory_space<hbm>> -> memref<1x640x64xf32, #tpu.memory_space<hbm>>
      %dma_start3A_120 = tpu.memref_squeeze %dma_start3A_119 : memref<1x640x64xf32, #tpu.memory_space<hbm>> -> memref<640x64xf32, #tpu.memory_space<hbm>>
      tpu.enqueue_dma source(%arg10 : memref<640x64xf32, #tpu.memory_space<vmem>>) target(%dma_start3A_120 : memref<640x64xf32, #tpu.memory_space<hbm>>) target_semaphore(%run_scoped3A : memref<!tpu.dma_semaphore, #tpu.memory_space<semaphore_mem>>)
      %dma_wait3A_121 = arith.constant 0 : i32
      %dma_wait3A_122 = tpu.memref_slice %arg4[%arg0, %mul3A_114, %dma_wait3A_121] : memref<2x10240x64xf32, #tpu.memory_space<hbm>> -> memref<1x640x64xf32, #tpu.memory_space<hbm>>
      %dma_wait3A_123 = tpu.memref_squeeze %dma_wait3A_122 : memref<1x640x64xf32, #tpu.memory_space<hbm>> -> memref<640x64xf32, #tpu.memory_space<hbm>>
      %dma_wait3A_124 = arith.constant 0 : i32
      %dma_wait3A_125 = tpu.memref_slice %arg4[%arg0, %mul3A_114, %dma_wait3A_124] : memref<2x10240x64xf32, #tpu.memory_space<hbm>> -> memref<1x640x64xf32, #tpu.memory_space<hbm>>
      %dma_wait3A_126 = tpu.memref_squeeze %dma_wait3A_125 : memref<1x640x64xf32, #tpu.memory_space<hbm>> -> memref<640x64xf32, #tpu.memory_space<hbm>>
      tpu.wait_dma2 semaphore(%run_scoped3A : memref<!tpu.dma_semaphore, #tpu.memory_space<semaphore_mem>>) src(%arg10 : memref<640x64xf32, #tpu.memory_space<vmem>>) dst(%dma_wait3A_126 : memref<640x64xf32, #tpu.memory_space<hbm>>)
      tpu.yield
    }) : () -> ()
    return
  }
}

#map = affine_map<(d0, d1) -> (0, 0, 0, 0)>
#map1 = affine_map<(d0, d1) -> (0, 0)>
module attributes {stable_mosaic.version = 14 : i64} {
  func.func @_degree_kernel(%arg0: i32, %arg1: i32, %arg2: memref<2x32x125x80xi32, #tpu.memory_space<hbm>>, %arg3: memref<2x10240xf32, #tpu.memory_space<hbm>>, %arg4: memref<125x80xi32, #tpu.memory_space<vmem>>, %arg5: memref<10240xf32, #tpu.memory_space<vmem>>, %arg6: memref<16x10240xf32, #tpu.memory_space<vmem_shared>>, %arg7: memref<640xf32, #tpu.memory_space<vmem>>, %arg8: memref<640xf32, #tpu.memory_space<vmem>>, %arg9: memref<640xf32, #tpu.memory_space<vmem>>, %arg10: memref<!tpu.dma_semaphore, #tpu.memory_space<semaphore_mem>>, %arg11: memref<!tpu.dma_semaphore, #tpu.memory_space<semaphore_mem>>, %arg12: memref<!tpu.dma_semaphore, #tpu.memory_space<semaphore_mem>>) attributes {dimension_semantics = [#tpu.dimension_semantics<core_parallel>, #tpu.dimension_semantics<subcore_parallel>], iteration_bounds = array<i64: 2, 16>, scalar_prefetch = 0 : i64, scratch_operands = 9 : i64, tpu.core_type = #tpu.core_type<sc_vector_subcore>, window_params = [{transform_indices = #map}, {transform_indices = #map1}]} {
    %mul3A = arith.constant 2 : i32
    %mul3A_0 = arith.muli %arg1, %mul3A : i32
    %add3A = arith.addi %mul3A_0, %arg0 : i32
    %broadcast_in_dim3A = arith.constant 0.000000e+00 : f32
    %broadcast_in_dim3A_1 = vector.broadcast %broadcast_in_dim3A : f32 to vector<16xf32>
    %broadcast_in_dim3A_2 = arith.constant 1.000000e+00 : f32
    %broadcast_in_dim3A_3 = vector.broadcast %broadcast_in_dim3A_2 : f32 to vector<16xf32>
    %dma_start3A = arith.constant 1 : i32
    %dma_start3A_4 = arith.constant 0 : i32
    %dma_start3A_5 = arith.constant 0 : i32
    %dma_start3A_6 = tpu.memref_slice %arg2[%dma_start3A, %add3A, %dma_start3A_4, %dma_start3A_5] : memref<2x32x125x80xi32, #tpu.memory_space<hbm>> -> memref<1x1x125x80xi32, #tpu.memory_space<hbm>>
    %dma_start3A_7 = tpu.memref_squeeze %dma_start3A_6 : memref<1x1x125x80xi32, #tpu.memory_space<hbm>> -> memref<125x80xi32, #tpu.memory_space<hbm>>
    %dma_start3A_8 = arith.constant 0 : i32
    %dma_start3A_9 = arith.constant 0 : i32
    %dma_start3A_10 = tpu.memref_slice %arg2[%dma_start3A, %add3A, %dma_start3A_8, %dma_start3A_9] : memref<2x32x125x80xi32, #tpu.memory_space<hbm>> -> memref<1x1x125x80xi32, #tpu.memory_space<hbm>>
    %dma_start3A_11 = tpu.memref_squeeze %dma_start3A_10 : memref<1x1x125x80xi32, #tpu.memory_space<hbm>> -> memref<125x80xi32, #tpu.memory_space<hbm>>
    tpu.enqueue_dma source(%dma_start3A_11 : memref<125x80xi32, #tpu.memory_space<hbm>>) target(%arg4 : memref<125x80xi32, #tpu.memory_space<vmem>>) target_semaphore(%arg10 : memref<!tpu.dma_semaphore, #tpu.memory_space<semaphore_mem>>)
    %scan3A = arith.constant 0 : i32
    %scan3A_12 = arith.constant 640 : i32
    %scan3A_13 = arith.addi %scan3A, %scan3A_12 : i32
    %scan3A_14 = arith.constant 1 : i32
    scf.for %scan3A_51 = %scan3A to %scan3A_13 step %scan3A_14  : i32 {
      %mul3A_52 = arith.constant 16 : i32
      %mul3A_53 = arith.muli %scan3A_51, %mul3A_52 : i32
      %swap3A = arith.index_cast %mul3A_53 : i32 to index
      %swap3A_54 = tpu.vector_load %arg5[%swap3A] {strides = array<i32>} : memref<10240xf32, #tpu.memory_space<vmem>>, vector<16xf32>,
      tpu.vector_store %arg5[%swap3A], %broadcast_in_dim3A_1 {strides = array<i32>} : memref<10240xf32, #tpu.memory_space<vmem>>, vector<16xf32>,
    }
    %scan3A_15 = arith.constant 640 : i32
    %dma_wait3A = arith.constant 1 : i32
    %dma_wait3A_16 = arith.constant 0 : i32
    %dma_wait3A_17 = arith.constant 0 : i32
    %dma_wait3A_18 = tpu.memref_slice %arg2[%dma_wait3A, %add3A, %dma_wait3A_16, %dma_wait3A_17] : memref<2x32x125x80xi32, #tpu.memory_space<hbm>> -> memref<1x1x125x80xi32, #tpu.memory_space<hbm>>
    %dma_wait3A_19 = tpu.memref_squeeze %dma_wait3A_18 : memref<1x1x125x80xi32, #tpu.memory_space<hbm>> -> memref<125x80xi32, #tpu.memory_space<hbm>>
    %dma_wait3A_20 = arith.constant 0 : i32
    %dma_wait3A_21 = arith.constant 0 : i32
    %dma_wait3A_22 = tpu.memref_slice %arg2[%dma_wait3A, %add3A, %dma_wait3A_20, %dma_wait3A_21] : memref<2x32x125x80xi32, #tpu.memory_space<hbm>> -> memref<1x1x125x80xi32, #tpu.memory_space<hbm>>
    %dma_wait3A_23 = tpu.memref_squeeze %dma_wait3A_22 : memref<1x1x125x80xi32, #tpu.memory_space<hbm>> -> memref<125x80xi32, #tpu.memory_space<hbm>>
    tpu.wait_dma2 semaphore(%arg10 : memref<!tpu.dma_semaphore, #tpu.memory_space<semaphore_mem>>) src(%dma_wait3A_23 : memref<125x80xi32, #tpu.memory_space<hbm>>) dst(%arg4 : memref<125x80xi32, #tpu.memory_space<vmem>>)
    %scan3A_24 = arith.constant 0 : i32
    %scan3A_25 = arith.constant 125 : i32
    %scan3A_26 = arith.addi %scan3A_24, %scan3A_25 : i32
    %scan3A_27 = arith.constant 1 : i32
    scf.for %scan3A_51 = %scan3A_24 to %scan3A_26 step %scan3A_27  : i32 {
      %scan3A_52 = arith.constant 0 : i32
      %scan3A_53 = arith.constant 5 : i32
      %scan3A_54 = arith.addi %scan3A_52, %scan3A_53 : i32
      %scan3A_55 = arith.constant 1 : i32
      scf.for %scan3A_57 = %scan3A_52 to %scan3A_54 step %scan3A_55  : i32 {
        %mul3A_58 = arith.constant 16 : i32
        %mul3A_59 = arith.muli %scan3A_57, %mul3A_58 : i32
        %get3A = arith.index_cast %scan3A_51 : i32 to index
        %get3A_60 = arith.index_cast %mul3A_59 : i32 to index
        %get3A_61 = tpu.vector_load %arg4[%get3A, %get3A_60] {strides = array<i32>} : memref<125x80xi32, #tpu.memory_space<vmem>>, vector<16xi32>,
        tpu.vector_store_idx %arg5[%get3A_61], %broadcast_in_dim3A_3 {add = true} : memref<10240xf32, #tpu.memory_space<vmem>>[vector<16xi32>], vector<16xf32>,
      }
      %scan3A_56 = arith.constant 5 : i32
    }
    %scan3A_28 = arith.constant 125 : i32
    "tpu.region"() ({
      %run_scoped3A = tpu.sem_alloc : memref<!tpu.dma_semaphore, #tpu.memory_space<semaphore_mem>>
      %dma_start3A_51 = arith.constant 0 : i32
      %dma_start3A_52 = tpu.memref_slice %arg6[%arg1, %dma_start3A_51] : memref<16x10240xf32, #tpu.memory_space<vmem_shared>> -> memref<1x10240xf32, #tpu.memory_space<vmem_shared>>
      %dma_start3A_53 = tpu.memref_squeeze %dma_start3A_52 : memref<1x10240xf32, #tpu.memory_space<vmem_shared>> -> memref<10240xf32, #tpu.memory_space<vmem_shared>>
      %dma_start3A_54 = arith.constant 0 : i32
      %dma_start3A_55 = tpu.memref_slice %arg6[%arg1, %dma_start3A_54] : memref<16x10240xf32, #tpu.memory_space<vmem_shared>> -> memref<1x10240xf32, #tpu.memory_space<vmem_shared>>
      %dma_start3A_56 = tpu.memref_squeeze %dma_start3A_55 : memref<1x10240xf32, #tpu.memory_space<vmem_shared>> -> memref<10240xf32, #tpu.memory_space<vmem_shared>>
      tpu.enqueue_dma source(%arg5 : memref<10240xf32, #tpu.memory_space<vmem>>) target(%dma_start3A_56 : memref<10240xf32, #tpu.memory_space<vmem_shared>>) target_semaphore(%run_scoped3A : memref<!tpu.dma_semaphore, #tpu.memory_space<semaphore_mem>>)
      %dma_wait3A_57 = arith.constant 0 : i32
      %dma_wait3A_58 = tpu.memref_slice %arg6[%arg1, %dma_wait3A_57] : memref<16x10240xf32, #tpu.memory_space<vmem_shared>> -> memref<1x10240xf32, #tpu.memory_space<vmem_shared>>
      %dma_wait3A_59 = tpu.memref_squeeze %dma_wait3A_58 : memref<1x10240xf32, #tpu.memory_space<vmem_shared>> -> memref<10240xf32, #tpu.memory_space<vmem_shared>>
      %dma_wait3A_60 = arith.constant 0 : i32
      %dma_wait3A_61 = tpu.memref_slice %arg6[%arg1, %dma_wait3A_60] : memref<16x10240xf32, #tpu.memory_space<vmem_shared>> -> memref<1x10240xf32, #tpu.memory_space<vmem_shared>>
      %dma_wait3A_62 = tpu.memref_squeeze %dma_wait3A_61 : memref<1x10240xf32, #tpu.memory_space<vmem_shared>> -> memref<10240xf32, #tpu.memory_space<vmem_shared>>
      tpu.wait_dma2 semaphore(%run_scoped3A : memref<!tpu.dma_semaphore, #tpu.memory_space<semaphore_mem>>) src(%arg5 : memref<10240xf32, #tpu.memory_space<vmem>>) dst(%dma_wait3A_62 : memref<10240xf32, #tpu.memory_space<vmem_shared>>)
      tpu.yield
    }) : () -> ()
    %barrier3A = arith.constant 0 : index
    tpu.barrier barrier_id(%barrier3A)
    %scan3A_29 = arith.constant 0 : i32
    %scan3A_30 = arith.constant 40 : i32
    %scan3A_31 = arith.addi %scan3A_29, %scan3A_30 : i32
    %scan3A_32 = arith.constant 1 : i32
    scf.for %scan3A_51 = %scan3A_29 to %scan3A_31 step %scan3A_32  : i32 {
      %mul3A_52 = arith.constant 16 : i32
      %mul3A_53 = arith.muli %scan3A_51, %mul3A_52 : i32
      %swap3A = arith.index_cast %mul3A_53 : i32 to index
      %swap3A_54 = tpu.vector_load %arg7[%swap3A] {strides = array<i32>} : memref<640xf32, #tpu.memory_space<vmem>>, vector<16xf32>,
      tpu.vector_store %arg7[%swap3A], %broadcast_in_dim3A_1 {strides = array<i32>} : memref<640xf32, #tpu.memory_space<vmem>>, vector<16xf32>,
    }
    %scan3A_33 = arith.constant 40 : i32
    %mul3A_34 = arith.constant 640 : i32
    %mul3A_35 = arith.muli %arg1, %mul3A_34 : i32
    %dma_start3A_36 = arith.constant 0 : i32
    %dma_start3A_37 = tpu.memref_slice %arg6[%dma_start3A_36, %mul3A_35] : memref<16x10240xf32, #tpu.memory_space<vmem_shared>> -> memref<1x640xf32, #tpu.memory_space<vmem_shared>>
    %dma_start3A_38 = tpu.memref_squeeze %dma_start3A_37 : memref<1x640xf32, #tpu.memory_space<vmem_shared>> -> memref<640xf32, #tpu.memory_space<vmem_shared>>
    %dma_start3A_39 = tpu.memref_slice %arg6[%dma_start3A_36, %mul3A_35] : memref<16x10240xf32, #tpu.memory_space<vmem_shared>> -> memref<1x640xf32, #tpu.memory_space<vmem_shared>>
    %dma_start3A_40 = tpu.memref_squeeze %dma_start3A_39 : memref<1x640xf32, #tpu.memory_space<vmem_shared>> -> memref<640xf32, #tpu.memory_space<vmem_shared>>
    tpu.enqueue_dma source(%dma_start3A_40 : memref<640xf32, #tpu.memory_space<vmem_shared>>) target(%arg8 : memref<640xf32, #tpu.memory_space<vmem>>) target_semaphore(%arg11 : memref<!tpu.dma_semaphore, #tpu.memory_space<semaphore_mem>>)
    %dma_start3A_41 = arith.constant 1 : i32
    %dma_start3A_42 = tpu.memref_slice %arg6[%dma_start3A_41, %mul3A_35] : memref<16x10240xf32, #tpu.memory_space<vmem_shared>> -> memref<1x640xf32, #tpu.memory_space<vmem_shared>>
    %dma_start3A_43 = tpu.memref_squeeze %dma_start3A_42 : memref<1x640xf32, #tpu.memory_space<vmem_shared>> -> memref<640xf32, #tpu.memory_space<vmem_shared>>
    %dma_start3A_44 = tpu.memref_slice %arg6[%dma_start3A_41, %mul3A_35] : memref<16x10240xf32, #tpu.memory_space<vmem_shared>> -> memref<1x640xf32, #tpu.memory_space<vmem_shared>>
    %dma_start3A_45 = tpu.memref_squeeze %dma_start3A_44 : memref<1x640xf32, #tpu.memory_space<vmem_shared>> -> memref<640xf32, #tpu.memory_space<vmem_shared>>
    tpu.enqueue_dma source(%dma_start3A_45 : memref<640xf32, #tpu.memory_space<vmem_shared>>) target(%arg9 : memref<640xf32, #tpu.memory_space<vmem>>) target_semaphore(%arg12 : memref<!tpu.dma_semaphore, #tpu.memory_space<semaphore_mem>>)
    %scan3A_46 = arith.constant 0 : i32
    %scan3A_47 = arith.constant 8 : i32
    %scan3A_48 = arith.addi %scan3A_46, %scan3A_47 : i32
    %scan3A_49 = arith.constant 1 : i32
    scf.for %scan3A_51 = %scan3A_46 to %scan3A_48 step %scan3A_49  : i32 {
      %mul3A_52 = arith.constant 2 : i32
      %mul3A_53 = arith.muli %mul3A_52, %scan3A_51 : i32
      %dma_wait3A_54 = tpu.memref_slice %arg6[%mul3A_53, %mul3A_35] : memref<16x10240xf32, #tpu.memory_space<vmem_shared>> -> memref<1x640xf32, #tpu.memory_space<vmem_shared>>
      %dma_wait3A_55 = tpu.memref_squeeze %dma_wait3A_54 : memref<1x640xf32, #tpu.memory_space<vmem_shared>> -> memref<640xf32, #tpu.memory_space<vmem_shared>>
      %dma_wait3A_56 = tpu.memref_slice %arg6[%mul3A_53, %mul3A_35] : memref<16x10240xf32, #tpu.memory_space<vmem_shared>> -> memref<1x640xf32, #tpu.memory_space<vmem_shared>>
      %dma_wait3A_57 = tpu.memref_squeeze %dma_wait3A_56 : memref<1x640xf32, #tpu.memory_space<vmem_shared>> -> memref<640xf32, #tpu.memory_space<vmem_shared>>
      tpu.wait_dma2 semaphore(%arg11 : memref<!tpu.dma_semaphore, #tpu.memory_space<semaphore_mem>>) src(%dma_wait3A_57 : memref<640xf32, #tpu.memory_space<vmem_shared>>) dst(%arg8 : memref<640xf32, #tpu.memory_space<vmem>>)
      %scan3A_58 = arith.constant 0 : i32
      %scan3A_59 = arith.constant 40 : i32
      %scan3A_60 = arith.addi %scan3A_58, %scan3A_59 : i32
      %scan3A_61 = arith.constant 1 : i32
      scf.for %scan3A_87 = %scan3A_58 to %scan3A_60 step %scan3A_61  : i32 {
        %mul3A_88 = arith.constant 16 : i32
        %mul3A_89 = arith.muli %scan3A_87, %mul3A_88 : i32
        %get3A = arith.index_cast %mul3A_89 : i32 to index
        %get3A_90 = tpu.vector_load %arg7[%get3A] {strides = array<i32>} : memref<640xf32, #tpu.memory_space<vmem>>, vector<16xf32>,
        %get3A_91 = arith.index_cast %mul3A_89 : i32 to index
        %get3A_92 = tpu.vector_load %arg8[%get3A_91] {strides = array<i32>} : memref<640xf32, #tpu.memory_space<vmem>>, vector<16xf32>,
        %add3A_93 = arith.addf %get3A_90, %get3A_92 : vector<16xf32>
        %swap3A = arith.index_cast %mul3A_89 : i32 to index
        %swap3A_94 = tpu.vector_load %arg7[%swap3A] {strides = array<i32>} : memref<640xf32, #tpu.memory_space<vmem>>, vector<16xf32>,
        tpu.vector_store %arg7[%swap3A], %add3A_93 {strides = array<i32>} : memref<640xf32, #tpu.memory_space<vmem>>, vector<16xf32>,
      }
      %scan3A_62 = arith.constant 40 : i32
      %add3A_63 = arith.constant 2 : i32
      %add3A_64 = arith.addi %mul3A_53, %add3A_63 : i32
      %lt3A = arith.constant 16 : i32
      %lt3A_65 = arith.cmpi slt, %add3A_64, %lt3A : i32
      %convert_element_type3A = arith.extui %lt3A_65 : i1 to i32
      %cond3A = arith.constant 0 : i32
      %cond3A_66 = arith.cmpi ne, %convert_element_type3A, %cond3A : i32
      scf.if %cond3A_66 {
        %add3A_87 = arith.constant 2 : i32
        %add3A_88 = arith.addi %mul3A_53, %add3A_87 : i32
        %dma_start3A_89 = tpu.memref_slice %arg6[%add3A_88, %mul3A_35] : memref<16x10240xf32, #tpu.memory_space<vmem_shared>> -> memref<1x640xf32, #tpu.memory_space<vmem_shared>>
        %dma_start3A_90 = tpu.memref_squeeze %dma_start3A_89 : memref<1x640xf32, #tpu.memory_space<vmem_shared>> -> memref<640xf32, #tpu.memory_space<vmem_shared>>
        %dma_start3A_91 = tpu.memref_slice %arg6[%add3A_88, %mul3A_35] : memref<16x10240xf32, #tpu.memory_space<vmem_shared>> -> memref<1x640xf32, #tpu.memory_space<vmem_shared>>
        %dma_start3A_92 = tpu.memref_squeeze %dma_start3A_91 : memref<1x640xf32, #tpu.memory_space<vmem_shared>> -> memref<640xf32, #tpu.memory_space<vmem_shared>>
        tpu.enqueue_dma source(%dma_start3A_92 : memref<640xf32, #tpu.memory_space<vmem_shared>>) target(%arg8 : memref<640xf32, #tpu.memory_space<vmem>>) target_semaphore(%arg11 : memref<!tpu.dma_semaphore, #tpu.memory_space<semaphore_mem>>)
      } else {
      }
      %mul3A_67 = arith.constant 2 : i32
      %mul3A_68 = arith.muli %mul3A_67, %scan3A_51 : i32
      %add3A_69 = arith.constant 1 : i32
      %add3A_70 = arith.addi %mul3A_68, %add3A_69 : i32
      %dma_wait3A_71 = tpu.memref_slice %arg6[%add3A_70, %mul3A_35] : memref<16x10240xf32, #tpu.memory_space<vmem_shared>> -> memref<1x640xf32, #tpu.memory_space<vmem_shared>>
      %dma_wait3A_72 = tpu.memref_squeeze %dma_wait3A_71 : memref<1x640xf32, #tpu.memory_space<vmem_shared>> -> memref<640xf32, #tpu.memory_space<vmem_shared>>
      %dma_wait3A_73 = tpu.memref_slice %arg6[%add3A_70, %mul3A_35] : memref<16x10240xf32, #tpu.memory_space<vmem_shared>> -> memref<1x640xf32, #tpu.memory_space<vmem_shared>>
      %dma_wait3A_74 = tpu.memref_squeeze %dma_wait3A_73 : memref<1x640xf32, #tpu.memory_space<vmem_shared>> -> memref<640xf32, #tpu.memory_space<vmem_shared>>
      tpu.wait_dma2 semaphore(%arg12 : memref<!tpu.dma_semaphore, #tpu.memory_space<semaphore_mem>>) src(%dma_wait3A_74 : memref<640xf32, #tpu.memory_space<vmem_shared>>) dst(%arg9 : memref<640xf32, #tpu.memory_space<vmem>>)
      %scan3A_75 = arith.constant 0 : i32
      %scan3A_76 = arith.constant 40 : i32
      %scan3A_77 = arith.addi %scan3A_75, %scan3A_76 : i32
      %scan3A_78 = arith.constant 1 : i32
      scf.for %scan3A_87 = %scan3A_75 to %scan3A_77 step %scan3A_78  : i32 {
        %mul3A_88 = arith.constant 16 : i32
        %mul3A_89 = arith.muli %scan3A_87, %mul3A_88 : i32
        %get3A = arith.index_cast %mul3A_89 : i32 to index
        %get3A_90 = tpu.vector_load %arg7[%get3A] {strides = array<i32>} : memref<640xf32, #tpu.memory_space<vmem>>, vector<16xf32>,
        %get3A_91 = arith.index_cast %mul3A_89 : i32 to index
        %get3A_92 = tpu.vector_load %arg9[%get3A_91] {strides = array<i32>} : memref<640xf32, #tpu.memory_space<vmem>>, vector<16xf32>,
        %add3A_93 = arith.addf %get3A_90, %get3A_92 : vector<16xf32>
        %swap3A = arith.index_cast %mul3A_89 : i32 to index
        %swap3A_94 = tpu.vector_load %arg7[%swap3A] {strides = array<i32>} : memref<640xf32, #tpu.memory_space<vmem>>, vector<16xf32>,
        tpu.vector_store %arg7[%swap3A], %add3A_93 {strides = array<i32>} : memref<640xf32, #tpu.memory_space<vmem>>, vector<16xf32>,
      }
      %scan3A_79 = arith.constant 40 : i32
      %add3A_80 = arith.constant 2 : i32
      %add3A_81 = arith.addi %add3A_70, %add3A_80 : i32
      %lt3A_82 = arith.constant 16 : i32
      %lt3A_83 = arith.cmpi slt, %add3A_81, %lt3A_82 : i32
      %convert_element_type3A_84 = arith.extui %lt3A_83 : i1 to i32
      %cond3A_85 = arith.constant 0 : i32
      %cond3A_86 = arith.cmpi ne, %convert_element_type3A_84, %cond3A_85 : i32
      scf.if %cond3A_86 {
        %add3A_87 = arith.constant 2 : i32
        %add3A_88 = arith.addi %add3A_70, %add3A_87 : i32
        %dma_start3A_89 = tpu.memref_slice %arg6[%add3A_88, %mul3A_35] : memref<16x10240xf32, #tpu.memory_space<vmem_shared>> -> memref<1x640xf32, #tpu.memory_space<vmem_shared>>
        %dma_start3A_90 = tpu.memref_squeeze %dma_start3A_89 : memref<1x640xf32, #tpu.memory_space<vmem_shared>> -> memref<640xf32, #tpu.memory_space<vmem_shared>>
        %dma_start3A_91 = tpu.memref_slice %arg6[%add3A_88, %mul3A_35] : memref<16x10240xf32, #tpu.memory_space<vmem_shared>> -> memref<1x640xf32, #tpu.memory_space<vmem_shared>>
        %dma_start3A_92 = tpu.memref_squeeze %dma_start3A_91 : memref<1x640xf32, #tpu.memory_space<vmem_shared>> -> memref<640xf32, #tpu.memory_space<vmem_shared>>
        tpu.enqueue_dma source(%dma_start3A_92 : memref<640xf32, #tpu.memory_space<vmem_shared>>) target(%arg9 : memref<640xf32, #tpu.memory_space<vmem>>) target_semaphore(%arg12 : memref<!tpu.dma_semaphore, #tpu.memory_space<semaphore_mem>>)
      } else {
      }
    }
    %scan3A_50 = arith.constant 8 : i32
    "tpu.region"() ({
      %run_scoped3A = tpu.sem_alloc : memref<!tpu.dma_semaphore, #tpu.memory_space<semaphore_mem>>
      %dma_start3A_51 = tpu.memref_slice %arg3[%arg0, %mul3A_35] : memref<2x10240xf32, #tpu.memory_space<hbm>> -> memref<1x640xf32, #tpu.memory_space<hbm>>
      %dma_start3A_52 = tpu.memref_squeeze %dma_start3A_51 : memref<1x640xf32, #tpu.memory_space<hbm>> -> memref<640xf32, #tpu.memory_space<hbm>>
      %dma_start3A_53 = tpu.memref_slice %arg3[%arg0, %mul3A_35] : memref<2x10240xf32, #tpu.memory_space<hbm>> -> memref<1x640xf32, #tpu.memory_space<hbm>>
      %dma_start3A_54 = tpu.memref_squeeze %dma_start3A_53 : memref<1x640xf32, #tpu.memory_space<hbm>> -> memref<640xf32, #tpu.memory_space<hbm>>
      tpu.enqueue_dma source(%arg7 : memref<640xf32, #tpu.memory_space<vmem>>) target(%dma_start3A_54 : memref<640xf32, #tpu.memory_space<hbm>>) target_semaphore(%run_scoped3A : memref<!tpu.dma_semaphore, #tpu.memory_space<semaphore_mem>>)
      %dma_wait3A_55 = tpu.memref_slice %arg3[%arg0, %mul3A_35] : memref<2x10240xf32, #tpu.memory_space<hbm>> -> memref<1x640xf32, #tpu.memory_space<hbm>>
      %dma_wait3A_56 = tpu.memref_squeeze %dma_wait3A_55 : memref<1x640xf32, #tpu.memory_space<hbm>> -> memref<640xf32, #tpu.memory_space<hbm>>
      %dma_wait3A_57 = tpu.memref_slice %arg3[%arg0, %mul3A_35] : memref<2x10240xf32, #tpu.memory_space<hbm>> -> memref<1x640xf32, #tpu.memory_space<hbm>>
      %dma_wait3A_58 = tpu.memref_squeeze %dma_wait3A_57 : memref<1x640xf32, #tpu.memory_space<hbm>> -> memref<640xf32, #tpu.memory_space<hbm>>
      tpu.wait_dma2 semaphore(%run_scoped3A : memref<!tpu.dma_semaphore, #tpu.memory_space<semaphore_mem>>) src(%arg7 : memref<640xf32, #tpu.memory_space<vmem>>) dst(%dma_wait3A_58 : memref<640xf32, #tpu.memory_space<hbm>>)
      tpu.yield
    }) : () -> ()
    return
  }
}

module attributes {stable_mosaic.version = 14 : i64} {
  func.func @_encode_body(%arg0: memref<10000x128xf32, #tpu.memory_space<vmem>>, %arg1: memref<128x64xf32, #tpu.memory_space<vmem>>, %arg2: memref<10000xf32, #tpu.memory_space<vmem>>, %arg3: memref<10000x64xf32, #tpu.memory_space<vmem>>) attributes {dimension_semantics = [], scalar_prefetch = 0 : i64, scratch_operands = 0 : i64, tpu.core_type = #tpu.core_type<tc>} {
    %get3A = arith.constant 0 : index
    %get3A_0 = arith.constant 0 : index
    %get3A_1 = vector.load %arg0[%get3A, %get3A_0] : memref<10000x128xf32, #tpu.memory_space<vmem>>, vector<10000x128xf32>
    %get3A_2 = arith.constant 0 : index
    %get3A_3 = arith.constant 0 : index
    %get3A_4 = vector.load %arg1[%get3A_2, %get3A_3] : memref<128x64xf32, #tpu.memory_space<vmem>>, vector<128x64xf32>
    %dot_general3A = arith.constant dense<0.000000e+00> : vector<10000x64xf32>
    %dot_general3A_5 = tpu.matmul %get3A_1, %get3A_4, %dot_general3A {dimension_numbers = #tpu.dot_dimension_numbers<[1], [0], [0], [1], [0, 0, 1, 1], [], []>, transpose_lhs_hint = false} : vector<10000x128xf32>, vector<128x64xf32>, vector<10000x64xf32> -> vector<10000x64xf32>
    %get3A_6 = arith.constant 0 : index
    %get3A_7 = vector.load %arg2[%get3A_6] : memref<10000xf32, #tpu.memory_space<vmem>>, vector<10000xf32>
    %reshape3A = vector.shape_cast %get3A_7 : vector<10000xf32> to vector<10000x1xf32>
    %mul3A = vector.broadcast %reshape3A : vector<10000x1xf32> to vector<10000x64xf32>
    %mul3A_8 = arith.mulf %dot_general3A_5, %mul3A : vector<10000x64xf32>
    %swap3A = arith.constant 0 : index
    %swap3A_9 = arith.constant 0 : index
    %swap3A_10 = vector.load %arg3[%swap3A, %swap3A_9] : memref<10000x64xf32, #tpu.memory_space<vmem>>, vector<10000x64xf32>
    tpu.vector_store %arg3[%swap3A, %swap3A_9], %mul3A_8 {strides = array<i32>} : memref<10000x64xf32, #tpu.memory_space<vmem>>, vector<10000x64xf32>,
    return
  }
}

module attributes {stable_mosaic.version = 14 : i64} {
  func.func @_final_body(%arg0: memref<2x5120x128xf32, #tpu.memory_space<vmem>>, %arg1: memref<5000x128xf32, #tpu.memory_space<vmem>>, %arg2: memref<5000xf32, #tpu.memory_space<vmem>>, %arg3: memref<5000xf32, #tpu.memory_space<vmem>>, %arg4: memref<1x128xf32, #tpu.memory_space<vmem>>, %arg5: memref<5000x128xf32, #tpu.memory_space<vmem>>) attributes {dimension_semantics = [], scalar_prefetch = 0 : i64, scratch_operands = 0 : i64, tpu.core_type = #tpu.core_type<tc>} {
    %get3A = arith.constant 0 : index
    %get3A_0 = arith.constant 0 : index
    %get3A_1 = arith.constant 0 : index
    %get3A_2 = vector.load %arg0[%get3A, %get3A_0, %get3A_1] : memref<2x5120x128xf32, #tpu.memory_space<vmem>>, vector<1x5000x128xf32>
    %get3A_3 = vector.shape_cast %get3A_2 : vector<1x5000x128xf32> to vector<5000x128xf32>
    %get3A_4 = arith.constant 1 : index
    %get3A_5 = arith.constant 0 : index
    %get3A_6 = arith.constant 0 : index
    %get3A_7 = vector.load %arg0[%get3A_4, %get3A_5, %get3A_6] : memref<2x5120x128xf32, #tpu.memory_space<vmem>>, vector<1x5000x128xf32>
    %get3A_8 = vector.shape_cast %get3A_7 : vector<1x5000x128xf32> to vector<5000x128xf32>
    %add3A = arith.addf %get3A_3, %get3A_8 : vector<5000x128xf32>
    %get3A_9 = arith.constant 0 : index
    %get3A_10 = arith.constant 0 : index
    %get3A_11 = vector.load %arg1[%get3A_9, %get3A_10] : memref<5000x128xf32, #tpu.memory_space<vmem>>, vector<5000x128xf32>
    %add3A_12 = arith.addf %add3A, %get3A_11 : vector<5000x128xf32>
    %get3A_13 = arith.constant 0 : index
    %get3A_14 = vector.load %arg2[%get3A_13] : memref<5000xf32, #tpu.memory_space<vmem>>, vector<5000xf32>
    %reshape3A = vector.shape_cast %get3A_14 : vector<5000xf32> to vector<5000x1xf32>
    %broadcast_in_dim3A = vector.shape_cast %reshape3A : vector<5000x1xf32> to vector<5000x1xf32>
    %broadcast_in_dim3A_15 = vector.broadcast %broadcast_in_dim3A : vector<5000x1xf32> to vector<5000x64xf32>
    %get3A_16 = arith.constant 0 : index
    %get3A_17 = vector.load %arg3[%get3A_16] : memref<5000xf32, #tpu.memory_space<vmem>>, vector<5000xf32>
    %reshape3A_18 = vector.shape_cast %get3A_17 : vector<5000xf32> to vector<5000x1xf32>
    %broadcast_in_dim3A_19 = vector.shape_cast %reshape3A_18 : vector<5000x1xf32> to vector<5000x1xf32>
    %broadcast_in_dim3A_20 = vector.broadcast %broadcast_in_dim3A_19 : vector<5000x1xf32> to vector<5000x64xf32>
    %concatenate3A = tpu.concatenate %broadcast_in_dim3A_15, %broadcast_in_dim3A_20 in 1 : vector<5000x64xf32>, vector<5000x64xf32> -> vector<5000x128xf32>
    %mul3A = arith.mulf %concatenate3A, %add3A_12 : vector<5000x128xf32>
    %get3A_21 = arith.constant 0 : index
    %get3A_22 = arith.constant 0 : index
    %get3A_23 = vector.load %arg4[%get3A_21, %get3A_22] : memref<1x128xf32, #tpu.memory_space<vmem>>, vector<1x128xf32>
    %add3A_24 = vector.broadcast %get3A_23 : vector<1x128xf32> to vector<5000x128xf32>
    %add3A_25 = arith.addf %mul3A, %add3A_24 : vector<5000x128xf32>
    %swap3A = arith.constant 0 : index
    %swap3A_26 = arith.constant 0 : index
    %swap3A_27 = vector.load %arg5[%swap3A, %swap3A_26] : memref<5000x128xf32, #tpu.memory_space<vmem>>, vector<5000x128xf32>
    tpu.vector_store %arg5[%swap3A, %swap3A_26], %add3A_25 {strides = array<i32>} : memref<5000x128xf32, #tpu.memory_space<vmem>>, vector<5000x128xf32>,
    return
  }
}

</mosaic_0001>

<sc_bundles>
// kernel: kernel.6.cloned.1.call-start
scs
__scs_entry_jumppad:
0x0: {  	(pc) =	sbr.rel $0x88, $3  }
0x1: {  	(tag) =	ssettag $0x0;
	lr =	simm.s32 $0x1  }
0x2: {  	[smem:$0x3F9D] =	sst lr;
	_ =	strace $0xD0000000  }
0x3: {  	_ = 	snop  }
0x4: {  	_ = 	snop  }
0x5: {  	_ = 	snop  }
0x6: {  	_ = 	snop  }
0x7: {  	_ = 	snop  }
__scs_overlays_trampoline_lowered:
0x8: {  	[smem:$0x3FAC] =	sst s0  }
0x9: {  	[smem:$0x3FAD] =	sst s1  }
0xa: {  	[smem:$0x3FAE] =	sst s2  }
0xb: {  	[smem:$0x3FAF] =	sst s3  }
0xc: {  	[smem:$0x3FB0] =	sst s4  }
0xd: {  	[smem:$0x3FB1] =	sst s5  }
0xe: {  	[smem:$0x3FB2] =	sst s6  }
0xf: {  	[smem:$0x3FB3] =	sst s7  }
0x10: {  	[smem:$0x3FB4] =	sst s8  }
0x11: {  	[smem:$0x3FB5] =	sst s9;
	s0 =	simm.s32 @!p0 $0x0  }
0x12: {  	s1 =	sld [smem:$0x3F9B];
	s0 =	simm.s32 @p0 $0x1  }
0x13: {  	[smem:$0x3FB6] =	sst s0;
	s0 =	simm.s32 @!p1 $0x0  }
0x14: {  	s2 =	sld [smem:$0x3F9A];
	s0 =	simm.s32 @p1 $0x1  }
0x15: {  	[smem:$0x3FB7] =	sst s0;
	s0 =	simm.s32 @!p2 $0x0  }
0x16: {  	s3 =	sld [smem:$0x3FDB];
	s0 =	simm.s32 @p2 $0x1  }
0x17: {  	s4 =	simm.s32 $0x1BF5;
	[smem:$0x3FB9] =	sst s0  }
0x18: {  	s0 =	sld [smem:$0x3F9C];
	_ =	swait.ge [sflag:s4], $0x0  }
0x19: {  	s7 =	sld [smem:$0x3F9D]  }
0x1a: {  	s8 =	sadd.s32 $0xFFFFE003, lr  }
0x1b: {  	s9 =	sadd.s32 $0xFFFFFEF7, lr;
	s5 =	simm.s32 $0xFFFFFFFF;
	p2 =	slt.u32 s8, $0xFFFFF086  }
0x1c: {  	p1 =	slt.u32 s9, $0xF7A;
	s5 =	simm.s32 @!p2 $0x0  }
0x1d: {  	s5 =	simm.s32 @p1 $0x1;
	p0 =	seq.s32 s7, s2  }
0x1e: {  	s7 =	smul.u32 @!p0 $0xF7A, s2;
	p2 =	seq.s32 @!p0 s5, $0x0  }
0x1f: {  	s9 =	smul.u32 $0xF7A, s1;
	s8 =	simm.s32 @!p0 $0x1BF5;
	p2 =	por !p2, p0  }
0x20: {  	[sflag:s8] =	ssyncset.s32 @!p0 $0xFFFFF086;
	s6 =	sadd.s32 @!p0 s3, s7;
	s7 =	simm.s32 @!p0 $0x108  }
0x21: {  	s3 =	sadd.s32 s3, s9;
	s6 =	sadd.s32 @!p0 $0x88, s6;
	s7 =	simm.s32 @p2 $0x1082  }
0x22: {  	[simem:s7], [sflag:s8] =	dma.local @!p0 [hbm:s6], $0xF7A  }
0x23: {  	s9 =	sor.u32 $0xD0000000, s2;
	s6 =	simm.s32 $0x108;
	_ =	swait.ge @!p0 [sflag:s8], $0x0  }
0x24: {  	s3 =	sadd.s32 $0x88, s3;
	s6 =	simm.s32 @!p1 $0x1082;
	[sflag:s4] =	ssyncset.s32 $0xFFFFF086  }
0x25: {  	[simem:s6], [sflag:s4] =	dma.local [hbm:s3], $0xF7A  }
0x26: {  	[smem:$0x3F9D] =	sst s1;
	(tag) =	ssettag s2;
	_ =	strace s9  }
0x27: {  	s1 =	sld [smem:$0x3FAD]  }
0x28: {  	s2 =	sld [smem:$0x3FAE]  }
0x29: {  	s4 =	sld [smem:$0x3FB0]  }
0x2a: {  	p0 =	seq.s32 s5, $0x0;
	s5 =	sld [smem:$0x3FB1]  }
0x2b: {  	s6 =	sld [smem:$0x3FB2]  }
0x2c: {  	s7 =	sld [smem:$0x3FB3]  }
0x2d: {  	s3 =	simm.s32 $0x108;
	s8 =	sld [smem:$0x3FB4]  }
0x2e: {  	s3 =	simm.s32 @!p0 $0x1082;
	s9 =	sld [smem:$0x3FB5]  }
0x2f: {  	lr =	sadd.s32 s0, s3;
	s0 =	sld [smem:$0x3FAC]  }
0x30: {  	s3 =	sld [smem:$0x3FAF]  }
0x31: {  	[smem:$0x3FB8] =	sst s10  }
0x32: {  	s10 =	sld [smem:$0x3FB6];
	_ =	sdelay $0x3  }
0x33: {  	p0 =	seq.s32 s10, $0x1;
	s10 =	sld [smem:$0x3FB8];
	_ =	sdelay $0x3  }
0x34: {  	[smem:$0x3FB8] =	sst s10  }
0x35: {  	s10 =	sld [smem:$0x3FB7];
	_ =	sdelay $0x3  }
0x36: {  	p1 =	seq.s32 s10, $0x1;
	s10 =	sld [smem:$0x3FB8];
	_ =	sdelay $0x3  }
0x37: {  	[smem:$0x3FB8] =	sst s10  }
0x38: {  	s10 =	sld [smem:$0x3FB9]  }
0x39: {  	_ = 	snop;
	(pc) =	sbr.ind lr, $3  }
0x3a: {  	_ = 	snop  }
0x3b: {  	_ = 	snop  }
0x3c: {  	p2 =	seq.s32 s10, $0x1;
	s10 =	sld [smem:$0x3FB8]  }
0x3d: {  	_ =	shalt  }
0x3e: {  	_ =	shalt  }
0x3f: {  	_ =	shalt  }
0x40: {  	_ =	shalt  }
0x41: {  	_ =	shalt  }
0x42: {  	_ =	shalt  }
0x43: {  	_ =	shalt  }
0x44: {  	_ =	shalt  }
0x45: {  	_ =	shalt  }
0x46: {  	_ =	shalt  }
0x47: {  	_ =	shalt  }
0x48: {  	_ =	shalt  }
0x49: {  	_ =	shalt  }
0x4a: {  	_ =	shalt  }
0x4b: {  	_ =	shalt  }
0x4c: {  	_ =	shalt  }
0x4d: {  	_ =	shalt  }
0x4e: {  	_ =	shalt  }
0x4f: {  	_ =	shalt  }
0x50: {  	_ =	shalt  }
0x51: {  	_ =	shalt  }
0x52: {  	_ =	shalt  }
0x53: {  	_ =	shalt  }
0x54: {  	_ =	shalt  }
0x55: {  	_ =	shalt  }
0x56: {  	_ =	shalt  }
0x57: {  	_ =	shalt  }
0x58: {  	_ =	shalt  }
0x59: {  	_ =	shalt  }
0x5a: {  	_ =	shalt  }
0x5b: {  	_ =	shalt  }
0x5c: {  	_ =	shalt  }
0x5d: {  	_ =	shalt  }
0x5e: {  	_ =	shalt  }
0x5f: {  	_ =	shalt  }
0x60: {  	_ =	shalt  }
0x61: {  	_ =	shalt  }
0x62: {  	_ =	shalt  }
0x63: {  	_ =	shalt  }
0x64: {  	_ =	shalt  }
0x65: {  	_ =	shalt  }
0x66: {  	_ =	shalt  }
0x67: {  	_ =	shalt  }
0x68: {  	_ =	shalt  }
0x69: {  	_ =	shalt  }
0x6a: {  	_ =	shalt  }
0x6b: {  	_ =	shalt  }
0x6c: {  	_ =	shalt  }
0x6d: {  	_ =	shalt  }
0x6e: {  	_ =	shalt  }
0x6f: {  	_ =	shalt  }
0x70: {  	_ =	shalt  }
0x71: {  	_ =	shalt  }
0x72: {  	_ =	shalt  }
0x73: {  	_ =	shalt  }
0x74: {  	_ =	shalt  }
0x75: {  	_ =	shalt  }
0x76: {  	_ =	shalt  }
0x77: {  	_ =	shalt  }
0x78: {  	_ =	shalt  }
0x79: {  	_ =	shalt  }
0x7a: {  	_ =	shalt  }
0x7b: {  	_ =	shalt  }
0x7c: {  	_ =	shalt  }
0x7d: {  	_ =	shalt  }
0x7e: {  	_ =	shalt  }
0x7f: {  	_ =	shalt  }
0x80: {  	_ =	shalt  }
0x81: {  	_ =	shalt  }
0x82: {  	_ =	shalt  }
0x83: {  	_ =	shalt  }
0x84: {  	_ =	shalt  }
0x85: {  	_ =	shalt  }
0x86: {  	_ =	shalt  }
0x87: {  	_ =	shalt  }
.Lfunc_end0:
.L_simem_size_0:
called_computation_lowered:
.L_overlay_start_0:
0x88: {  	s2 =	sld [smem:$0x3FD9]  }
0x89: {  	s3 =	sld [smem:$0x3FFE];
	_ =	sdelay $0x1  }
0x8a: {  	s1 =	srdreg.scid  }
0x8b: {  	s0 =	sand.u32 $0x1, s1  }
0x8c: {  	s17 =	sshll.u32 s0, $0xA;
	s2 =	sadd.s32 s3, s2  }
0x8d: {  	s2 =	sadd.s32 s2, s17  }
0x8e: {  	[smem:$0x3FC4] =	sst s2  }
0x8f: {  	_ = 	snop  }
0x90: {  	s2 =	sld [smem:$0x3FD0];
	(tm) =	ssettm $0x1  }
0x91: {  	s18 =	sld [smem:$0x3FFB];
	_ =	sdelay $0x3  }
0x92: {  	_ =	strace s18  }
0x93: {  	s3 =	sld [smem:$0x3FFC];
	_ =	sdelay $0x3  }
0x94: {  	_ =	strace s3  }
0x95: {  	s3 =	sld [smem:$0x3FFD];
	_ =	sdelay $0x3  }
0x96: {  	_ =	strace s3  }
0x97: {  	_ =	strace $0x8FFFFFFF  }
0x98: {  	s19 =	sld [smem:$0x3FDB];
	_ =	sdelay $0x1  }
0x99: {  	s4 =	simm.s32 $_scs_section_size  }
0x9a: {  	s5 =	simm.s32 $_size__tile_overlayer_lowered;
	s6 =	simm.s32 $_tile_overlayer_lowered  }
0x9b: {  	s22 =	simm.s32 $0x1BFF;
	s21 =	sshll.u32 s6, $0x1;
	s3 =	sadd.s32 s4, s19  }
0x9c: {  	s7 =	simm.s32 $0x0;
	s20 =	sshll.u32 s5, $0x1;
	s5 =	sadd.s32 s21, s3  }
0x9d: {  	[timem:s7], [sflag:s22] =	dma.local [hbm:s5], s20  }
0x9e: {  	_ =	swait.ge [sflag:s22], s20  }
0x9f: {  	s4 =	ssub.s32 $0x0, s20;
	[sflag:s22] =	ssyncset.done $0x0  }
0xa0: {  	[sflag:s22] =	ssyncadd.s32 s4;
	_ =	sdelay $0x1  }
0xa1: {  	s23 =	simm.s32 $0x1B8B  }
0xa2: {  	_ =	swait.ge [sflag:s23], $0x1  }
0xa3: {  	[sflag:s23] =	ssyncset.done $0x0  }
0xa4: {  	s25 =	simm.s32 $0x1B8E;
	s24 =	sld [smem:$0x3FFE];
	[sflag:s23] =	ssyncadd.s32 $0xFFFFFFFF  }
0xa5: {  	s26 =	simm.s32 $execute0_lowered;
	[smem:$0x3FD2] =	sst s25  }
0xa6: {  	s5 =	sshll.u32 s26, $0x1;
	_ =	strace $0x80000046;
	[dreg:$0x1] =	wrdreg $0xFFFFFFFF  }
0xa7: {  	s28 =	simm.s32 $_size_execute0_lowered;
	s3 =	sadd.s32 s3, s5;
	[dreg:$0x0] =	wrdreg $0x0  }
0xa8: {  	s5 =	sshll.u32 s28, $0x1;
	[dreg:$0x2] =	wrdreg s3  }
0xa9: {  	[dreg:$0x3] =	wrdreg s5  }
0xaa: {  	[dreg:$0x4] =	wrdreg $0xC0  }
0xab: {  	_ =	task [dreg:s7], $0x5FFFF  }
0xac: {  	[dreg:$0x1] =	wrdreg $0xFFFFFFFF  }
0xad: {  	[dreg:$0x0] =	wrdreg $0x60  }
0xae: {  	[dreg:$0x2] =	wrdreg s2  }
0xaf: {  	[dreg:$0x3] =	wrdreg s24  }
0xb0: {  	[dreg:$0x4] =	wrdreg $0x4F100  }
0xb1: {  	[dreg:$0x5] =	wrdreg $0x9  }
0xb2: {  	_ =	task.clear_ibuf [dreg:s7], $0x6FFFF;
	_ =	strace $0x90000046  }
0xb3: {  	s29 =	simm.s32 $0x9;
	_ =	strace $0x80000048  }
0xb4: {  	_ =	swait.ge [sflag:s29], $0x1  }
0xb5: {  	[sflag:s29] =	ssyncadd.s32 $0xFFFFFFFF  }
0xb6: {  	_ =	strace $0x90000048  }
0xb7: {  	_ =	sfence  }
0xb8: {  	s30 =	sld [smem:$0x0];
	_ =	sdelay $0x2  }
0xb9: {  	s31 =	sshll.u32 s1, $0xD;
	s1 =	sshrl.u32 s1, $0x2  }
0xba: {  	s3 =	sand.u32 $0x4000, s31;
	s1 =	sadd.s32 s1, s30  }
0xbb: {  	s0 =	sor.u32 s3, s0;
	s1 =	sshll.u32 s1, $0x11  }
0xbc: {  	s0 =	sor.u32 s1, s0  }
0xbd: {  	s0 =	sadd.s32 $0x8F2B, s0  }
0xbe: {  	[sflag:s0] =	ssyncadd.remote.s32 $0x1  }
0xbf: {  	_ =	sfence.sel $0xFFFF  }
0xc0: {  	[dreg:$0x0] =	wrdreg $0xFFFFFFFF;
	(pc) =	sbr.abs _section_cstart, $3  }
0xc1: {  	[dreg:$0x1] =	wrdreg $0xFFFFFFFF  }
0xc2: {  	_ =	task.clear_ibuf [dreg:s7], $0x2FFFF;
	_ =	strace $0x9FFFFFFF  }
0xc3: {  	(tm) =	ssettm $0x7FFFFFFF  }
tec
execute0_lowered:
.L_overlay_start_1:
0x0: {  	(tag) =	ssettag $0x1  }
0x1: {  	s5 =	rddreg [dreg:$0x0]  }
0x2: {  	s6 =	rddreg [dreg:$0x1]  }
0x3: {  	s2 =	rddreg [dreg:$0x2]  }
0x4: {  	s3 =	srdreg.scid;
	s1 =	stileid.u32  }
0x5: {  	s0 =	rddreg [dreg:$0x3];
	s4 =	simm.s32 $0x0;
	s13 =	simm.s32 $0x4  }
0x6: {  	s14 =	simm.s32 $0x7990;
	s15 =	simm.s32 $0x7C10;
	s16 =	simm.s32 $0x2  }
0x7: {  	s17 =	simm.s32 $0x3;
	s7 =	sand.u32 $0x1, s3;
	s3 =	smul.u32 $0x280, s1  }
0x8: {  	s18 =	simm.s32 $0x7710;
	s19 =	simm.s32 $0x0;
	s10 =	smul.u32 $0xA000, s1  }
0x9: {  	s9 =	sshll.u32 s1, $0x1;
	[smem:$0x7FF] =	sst s4;
	s8 =	smul.u32 $0x2800, s7  }
0xa: {  	s9 =	sor.u32 s7, s9;
	_ =	strace $0x80000047;
	s7 =	ssub.s32 $0x2, s7  }
0xb: {  	s9 =	smul.u32 $0x2710, s9;
	s29 =	sshrl.u32 s7, $0x1;
	s31 =	sshrl.u32 s10, $0x2  }
.Ltmp0:
0xc: {  	s8 =	sadd.s32 s3, s8;
	s12 =	ssub.s32 s7, s29;
	(pc) =	sbr.rel .LBB2_1-.Ltmp0, $4  }
0xd: {  	s7 =	sadd.s32 s3, s2;
	s8 =	sshrl.u32 s8, $0x3;
	s30 =	sshrl.u32 s9, $0x3  }
0xe: {  	s10 =	smax.u32 s12, $0x1;
	s12 =	simm.s32 $0x2710;
	s11 =	sadd.s32 s8, s6  }
0xf: {  	s5 =	sadd.s32 s5, s30;
	s6 =	sadd.s32 s31, s2;
	s8 =	sadd.s32 $0x2800, s7  }
0x10: {  	v0 =	vimm.f32 $0.0e+00;
	v1 =	vimm.f32 $1.000000000e+00;
	s5 =	sadd.s32 $0x9C40, s5;
	s9 =	sadd.s32 $0x1200, s11;
	s11 =	simm.s32 $0x1  }
.LBB2_12:
0x11: {  	s19 =	sadd.s32 $0x1, s19  }
0x12: {  	p0 =	sne.s32 s19, s10  }
.Ltmp1:
0x13: {  	_ = 	snop;
	(pc) =	sbr.rel @!p0 .LBB2_13-.Ltmp1, $4  }
0x14: {  	[hbm4b:s9+s4] =	stream.linear.scatter [tilespmem:s18], [sflag:$0x4], $0x280, $0x38;
	[tilespmem:$0x7E90] =	vst v63  }
0x15: {  	_ =	swait.ge [sflag:s13], $0x280  }
0x16: {  	[sflag:s13] =	ssyncset.done $0x0  }
0x17: {  	[sflag:s13] =	ssyncadd.s32 $0xFFFFFD80  }
.LBB2_1:
0x18: {  	[tilespmem:s4], [sflag:$0x1] =	stream.linear.gather [hbm4b:s5+s4], $0x2710, $0x38;
	[tilespmem:$0x7E90] =	vst v63  }
0x19: {  	s20 =	simm.s32 $0x40;
	s21 =	simm.s32 $0x0  }
.LBB2_2:
0x1a: {  	p0 =	sne.s32 s20, $0x9FC0;
	[tilespmem:s21+$0x2710] =	vst v0;
	s21 =	smov.u32 s20;
	s20 =	sadd.s32 $0x40, s20  }
.Ltmp2:
0x1b: {  	(pc) =	sbr.rel @p0 .LBB2_2-.Ltmp2, $2  }
0x1c: {  	_ =	sdelay $0x2  }
0x1d: {  	s21 =	sshra.s32 s21, $0x2  }
0x1e: {  	[tilespmem:s21+$0x2710] =	vst v0  }
0x1f: {  	_ =	swait.ge [sflag:s11], $0x2710  }
0x20: {  	[sflag:s11] =	ssyncset.done $0x0  }
0x21: {  	s20 =	simm.s32 $0x100;
	[sflag:s11] =	ssyncadd.s32 $0xFFFFD8F0  }
.LBB2_4:
0x22: {  	s21 =	sshra.s32 s20, $0x2  }
0x23: {  	v2 =	vld [tilespmem:s21+$0xFFFFFFC0];
	_ =	sdelay $0x7  }
0x24: {  	[tilespmem:v2+s12+$0x0] =	vst.idx.add.f32.msk $0xffff, v1  }
0x25: {  	v2 =	vld [tilespmem:s21+$0xFFFFFFD0];
	_ =	sdelay $0x7  }
0x26: {  	[tilespmem:v2+s12+$0x0] =	vst.idx.add.f32.msk $0xffff, v1  }
0x27: {  	v2 =	vld [tilespmem:s21+$0xFFFFFFE0];
	_ =	sdelay $0x7  }
0x28: {  	[tilespmem:v2+s12+$0x0] =	vst.idx.add.f32.msk $0xffff, v1  }
0x29: {  	v2 =	vld [tilespmem:s21+$0xFFFFFFF0];
	_ =	sdelay $0x7  }
0x2a: {  	[tilespmem:v2+s12+$0x0] =	vst.idx.add.f32.msk $0xffff, v1  }
0x2b: {  	v2 =	vld [tilespmem:s21+$0x0];
	_ =	sdelay $0x2  }
0x2c: {  	p0 =	sne.s32 s20, $0x9C00  }
.Ltmp3:
0x2d: {  	_ = 	snop;
	(pc) =	sbr.rel @p0 .LBB2_4-.Ltmp3, $2  }
0x2e: {  	_ =	sdelay $0x2  }
0x2f: {  	s20 =	sadd.s32 $0x140, s20;
	[tilespmem:v2+s12+$0x0] =	vst.idx.add.f32.msk $0xffff, v1  }
0x30: {  	[spmem:s6] =	stream.linear.scatter [tilespmem:s12], [sflag:$0x4], $0x2800, $0x38;
	[tilespmem:$0x7E90] =	vst v63  }
0x31: {  	_ =	swait.ge [sflag:s13], $0x2800  }
0x32: {  	[sflag:s13] =	ssyncset.done $0x0  }
0x33: {  	[sflag:s13] =	ssyncadd.s32 $0xFFFFD800  }
0x34: {  	[bflag:$0x0] =	sbarrier.arrive $0xFFFF  }
0x35: {  	[tilespmem:$0x7710] =	vst v0  }
0x36: {  	[tilespmem:$0x7720] =	vst v0  }
0x37: {  	[tilespmem:$0x7730] =	vst v0  }
0x38: {  	[tilespmem:$0x7740] =	vst v0  }
0x39: {  	[tilespmem:$0x7750] =	vst v0  }
0x3a: {  	[tilespmem:$0x7760] =	vst v0  }
0x3b: {  	[tilespmem:$0x7770] =	vst v0  }
0x3c: {  	[tilespmem:$0x7780] =	vst v0  }
0x3d: {  	[tilespmem:$0x7790] =	vst v0  }
0x3e: {  	[tilespmem:$0x77A0] =	vst v0  }
0x3f: {  	[tilespmem:$0x77B0] =	vst v0  }
0x40: {  	[tilespmem:$0x77C0] =	vst v0  }
0x41: {  	[tilespmem:$0x77D0] =	vst v0  }
0x42: {  	[tilespmem:$0x77E0] =	vst v0  }
0x43: {  	[tilespmem:$0x77F0] =	vst v0  }
0x44: {  	[tilespmem:$0x7800] =	vst v0  }
0x45: {  	[tilespmem:$0x7810] =	vst v0  }
0x46: {  	[tilespmem:$0x7820] =	vst v0  }
0x47: {  	[tilespmem:$0x7830] =	vst v0  }
0x48: {  	[tilespmem:$0x7840] =	vst v0  }
0x49: {  	[tilespmem:$0x7850] =	vst v0  }
0x4a: {  	[tilespmem:$0x7860] =	vst v0  }
0x4b: {  	[tilespmem:$0x7870] =	vst v0  }
0x4c: {  	[tilespmem:$0x7880] =	vst v0  }
0x4d: {  	[tilespmem:$0x7890] =	vst v0  }
0x4e: {  	[tilespmem:$0x78A0] =	vst v0  }
0x4f: {  	[tilespmem:$0x78B0] =	vst v0  }
0x50: {  	[tilespmem:$0x78C0] =	vst v0  }
0x51: {  	[tilespmem:$0x78D0] =	vst v0  }
0x52: {  	[tilespmem:$0x78E0] =	vst v0  }
0x53: {  	[tilespmem:$0x78F0] =	vst v0  }
0x54: {  	[tilespmem:$0x7900] =	vst v0  }
0x55: {  	[tilespmem:$0x7910] =	vst v0  }
0x56: {  	[tilespmem:$0x7920] =	vst v0  }
0x57: {  	[tilespmem:$0x7930] =	vst v0  }
0x58: {  	[tilespmem:$0x7940] =	vst v0  }
0x59: {  	[tilespmem:$0x7950] =	vst v0  }
0x5a: {  	[tilespmem:$0x7960] =	vst v0  }
0x5b: {  	[tilespmem:$0x7970] =	vst v0  }
0x5c: {  	[tilespmem:$0x7980] =	vst v0  }
0x5d: {  	[tilespmem:s14], [sflag:$0x2] =	stream.linear.gather [spmem:s7], $0x280, $0x38;
	[tilespmem:$0x7E90] =	vst v63  }
0x5e: {  	s20 =	simm.s32 $0x0  }
0x5f: {  	[tilespmem:s15], [sflag:$0x3] =	stream.linear.gather [spmem:s8], $0x280, $0x38;
	[tilespmem:$0x7E90] =	vst v63  }
.LBB2_6:
0x60: {  	_ =	swait.ge [sflag:s16], $0x280  }
0x61: {  	[sflag:s16] =	ssyncset.done $0x0  }
0x62: {  	s21 =	simm.s32 $0x0;
	[sflag:s16] =	ssyncadd.s32 $0xFFFFFD80  }
0x63: {  	s22 =	simm.s32 $0x40;
	v2 =	vld [tilespmem:s21+$0x7990]  }
.LBB2_7:
0x64: {  	p0 =	sne.s32 s22, $0x9C0;
	v3 =	vld [tilespmem:s21+$0x7710];
	_ =	sdelay $0x2  }
.Ltmp4:
0x65: {  	(pc) =	sbr.rel @p0 .LBB2_7-.Ltmp4, $4  }
0x66: {  	_ = 	snop  }
0x67: {  	v3 =	vadd.f32 v2, v3  }
0x68: {  	s23 =	sshra.s32 s22, $0x2  }
0x69: {  	s22 =	sadd.s32 $0x40, s22;
	v2 =	vld [tilespmem:s23+$0x7990];
	[tilespmem:s21+$0x7710] =	vst v3;
	s21 =	smov.u32 s23  }
0x6a: {  	v3 =	vld [tilespmem:s21+$0x7710]  }
0x6b: {  	p0 =	seq.s32 s20, $0x7  }
0x6c: {  	s22 =	smul.u32 @!p0 $0x14000, s20;
	_ =	sdelay $0x1  }
0x6d: {  	s22 =	sshra.s32 @!p0 s22, $0x2  }
0x6e: {  	s22 =	sadd.s32 @!p0 s22, s2;
	v2 =	vadd.f32 v2, v3  }
0x6f: {  	s22 =	sadd.s32 @!p0 s3, s22  }
0x70: {  	[tilespmem:s21+$0x7710] =	vst v2;
	s21 =	sadd.s32 @!p0 $0x5000, s22;
	s22 =	simm.s32 @!p0 $0x7990  }
0x71: {  	[tilespmem:s22], [sflag:$0x2] =	stream.linear.gather @!p0 [spmem:s21], $0x280, $0x38;
	[tilespmem:$0x7E90] =	vst v63  }
0x72: {  	_ =	swait.ge [sflag:s17], $0x280  }
0x73: {  	[sflag:s17] =	ssyncset.done $0x0  }
0x74: {  	s21 =	simm.s32 $0x0;
	[sflag:s17] =	ssyncadd.s32 $0xFFFFFD80  }
0x75: {  	s22 =	simm.s32 $0x40;
	v2 =	vld [tilespmem:s21+$0x7C10]  }
.LBB2_9:
0x76: {  	p1 =	sne.s32 s22, $0x9C0;
	v3 =	vld [tilespmem:s21+$0x7710];
	_ =	sdelay $0x2  }
.Ltmp5:
0x77: {  	(pc) =	sbr.rel @p1 .LBB2_9-.Ltmp5, $4  }
0x78: {  	_ = 	snop  }
0x79: {  	v3 =	vadd.f32 v2, v3  }
0x7a: {  	s23 =	sshra.s32 s22, $0x2  }
0x7b: {  	s22 =	sadd.s32 $0x40, s22;
	v2 =	vld [tilespmem:s23+$0x7C10];
	[tilespmem:s21+$0x7710] =	vst v3;
	s21 =	smov.u32 s23  }
0x7c: {  	v3 =	vld [tilespmem:s21+$0x7710];
	_ =	sdelay $0x2  }
.Ltmp6:
0x7d: {  	_ = 	snop;
	(pc) =	sbr.rel @p0 .LBB2_12-.Ltmp6, $3  }
0x7e: {  	_ = 	snop  }
0x7f: {  	v2 =	vadd.f32 v2, v3;
	_ =	sdelay $0x1  }
0x80: {  	[tilespmem:s21+$0x7710] =	vst v2  }
0x81: {  	s21 =	smul.u32 $0x14000, s20;
	_ =	sdelay $0x1  }
.Ltmp7:
0x82: {  	s21 =	sshra.s32 s21, $0x2;
	(pc) =	sbr.rel .LBB2_6-.Ltmp7, $4  }
0x83: {  	s21 =	sadd.s32 s21, s2  }
0x84: {  	s21 =	sadd.s32 s3, s21  }
0x85: {  	s20 =	sadd.s32 $0x1, s20;
	s21 =	sadd.s32 $0x7800, s21  }
0x86: {  	[tilespmem:s15], [sflag:$0x3] =	stream.linear.gather [spmem:s21], $0x280, $0x38;
	[tilespmem:$0x7E90] =	vst v63  }
.LBB2_13:
0x87: {  	_ =	sfence.sel $0x180000  }
0x88: {  	[bflag:$0x0] =	sbarrier.arrive $0xFFFF  }
0x89: {  	p0 =	sne.s32 s1, $0x0;
	_ =	strace $0x90000047  }
0x8a: {  	s0 =	sadd.s32 @!p0 $0x100000, s0;
	[bflag:$0x2] =	sbarrier.arrive $0xFFFF  }
0x8b: {  	[sflag:s0] =	ssyncadd.tile.s32 @!p0 $0x1;
	_ =	shalt  }
.Lfunc_end2:
_tile_overlayer_lowered:
.L_overlay_start_2:
0x8c: {  	(tag) =	ssettag $0x2  }
0x8d: {  	s0 =	rddreg [dreg:$0x0];
	s2 =	stileid.u32  }
0x8e: {  	s1 =	rddreg [dreg:$0x1];
	p0 =	sne.s32 s2, $0x0  }
0x8f: {  	s3 =	rddreg [dreg:$0x2];
	[bflag:$0x3] =	sbarrier.arrive $0xFFFF;
	s2 =	simm.s32 @!p0 $0x1C04  }
0x90: {  	[timem:s3], [sflag:s2] =	dma.local @!p0 [hbm:s0], s1  }
0x91: {  	s0 =	simm.s32 @!p0 $0x4  }
0x92: {  	_ =	swait.ge @!p0 [sflag:s0], s1  }
0x93: {  	s1 =	ssub.s32 @!p0 $0x0, s1;
	[sflag:s0] =	ssyncset.done @!p0 $0x0  }
0x94: {  	[sflag:s0] =	ssyncadd.s32 @!p0 s1  }
0x95: {  	[bflag:$0x3] =	sbarrier.arrive $0xFFFF  }
0x96: {  	_ =	shalt  }

// kernel: kernel.9.cloned.1.call-start
scs
__scs_entry_jumppad:
0x0: {  	(pc) =	sbr.rel $0x88, $3  }
0x1: {  	(tag) =	ssettag $0x0;
	lr =	simm.s32 $0x1  }
0x2: {  	[smem:$0x3F9D] =	sst lr;
	_ =	strace $0xD0000000  }
0x3: {  	_ = 	snop  }
0x4: {  	_ = 	snop  }
0x5: {  	_ = 	snop  }
0x6: {  	_ = 	snop  }
0x7: {  	_ = 	snop  }
__scs_overlays_trampoline_lowered:
0x8: {  	[smem:$0x3FAC] =	sst s0  }
0x9: {  	[smem:$0x3FAD] =	sst s1  }
0xa: {  	[smem:$0x3FAE] =	sst s2  }
0xb: {  	[smem:$0x3FAF] =	sst s3  }
0xc: {  	[smem:$0x3FB0] =	sst s4  }
0xd: {  	[smem:$0x3FB1] =	sst s5  }
0xe: {  	[smem:$0x3FB2] =	sst s6  }
0xf: {  	[smem:$0x3FB3] =	sst s7  }
0x10: {  	[smem:$0x3FB4] =	sst s8  }
0x11: {  	[smem:$0x3FB5] =	sst s9;
	s0 =	simm.s32 @!p0 $0x0  }
0x12: {  	s1 =	sld [smem:$0x3F9B];
	s0 =	simm.s32 @p0 $0x1  }
0x13: {  	[smem:$0x3FB6] =	sst s0;
	s0 =	simm.s32 @!p1 $0x0  }
0x14: {  	s2 =	sld [smem:$0x3F9A];
	s0 =	simm.s32 @p1 $0x1  }
0x15: {  	[smem:$0x3FB7] =	sst s0;
	s0 =	simm.s32 @!p2 $0x0  }
0x16: {  	s3 =	sld [smem:$0x3FDB];
	s0 =	simm.s32 @p2 $0x1  }
0x17: {  	s4 =	simm.s32 $0x1BF5;
	[smem:$0x3FB9] =	sst s0  }
0x18: {  	s0 =	sld [smem:$0x3F9C];
	_ =	swait.ge [sflag:s4], $0x0  }
0x19: {  	s7 =	sld [smem:$0x3F9D]  }
0x1a: {  	s8 =	sadd.s32 $0xFFFFE003, lr  }
0x1b: {  	s9 =	sadd.s32 $0xFFFFFEF7, lr;
	s5 =	simm.s32 $0xFFFFFFFF;
	p2 =	slt.u32 s8, $0xFFFFF086  }
0x1c: {  	p1 =	slt.u32 s9, $0xF7A;
	s5 =	simm.s32 @!p2 $0x0  }
0x1d: {  	s5 =	simm.s32 @p1 $0x1;
	p0 =	seq.s32 s7, s2  }
0x1e: {  	s7 =	smul.u32 @!p0 $0xF7A, s2;
	p2 =	seq.s32 @!p0 s5, $0x0  }
0x1f: {  	s9 =	smul.u32 $0xF7A, s1;
	s8 =	simm.s32 @!p0 $0x1BF5;
	p2 =	por !p2, p0  }
0x20: {  	[sflag:s8] =	ssyncset.s32 @!p0 $0xFFFFF086;
	s6 =	sadd.s32 @!p0 s3, s7;
	s7 =	simm.s32 @!p0 $0x108  }
0x21: {  	s3 =	sadd.s32 s3, s9;
	s6 =	sadd.s32 @!p0 $0x88, s6;
	s7 =	simm.s32 @p2 $0x1082  }
0x22: {  	[simem:s7], [sflag:s8] =	dma.local @!p0 [hbm:s6], $0xF7A  }
0x23: {  	s9 =	sor.u32 $0xD0000000, s2;
	s6 =	simm.s32 $0x108;
	_ =	swait.ge @!p0 [sflag:s8], $0x0  }
0x24: {  	s3 =	sadd.s32 $0x88, s3;
	s6 =	simm.s32 @!p1 $0x1082;
	[sflag:s4] =	ssyncset.s32 $0xFFFFF086  }
0x25: {  	[simem:s6], [sflag:s4] =	dma.local [hbm:s3], $0xF7A  }
0x26: {  	[smem:$0x3F9D] =	sst s1;
	(tag) =	ssettag s2;
	_ =	strace s9  }
0x27: {  	s1 =	sld [smem:$0x3FAD]  }
0x28: {  	s2 =	sld [smem:$0x3FAE]  }
0x29: {  	s4 =	sld [smem:$0x3FB0]  }
0x2a: {  	p0 =	seq.s32 s5, $0x0;
	s5 =	sld [smem:$0x3FB1]  }
0x2b: {  	s6 =	sld [smem:$0x3FB2]  }
0x2c: {  	s7 =	sld [smem:$0x3FB3]  }
0x2d: {  	s3 =	simm.s32 $0x108;
	s8 =	sld [smem:$0x3FB4]  }
0x2e: {  	s3 =	simm.s32 @!p0 $0x1082;
	s9 =	sld [smem:$0x3FB5]  }
0x2f: {  	lr =	sadd.s32 s0, s3;
	s0 =	sld [smem:$0x3FAC]  }
0x30: {  	s3 =	sld [smem:$0x3FAF]  }
0x31: {  	[smem:$0x3FB8] =	sst s10  }
0x32: {  	s10 =	sld [smem:$0x3FB6];
	_ =	sdelay $0x3  }
0x33: {  	p0 =	seq.s32 s10, $0x1;
	s10 =	sld [smem:$0x3FB8];
	_ =	sdelay $0x3  }
0x34: {  	[smem:$0x3FB8] =	sst s10  }
0x35: {  	s10 =	sld [smem:$0x3FB7];
	_ =	sdelay $0x3  }
0x36: {  	p1 =	seq.s32 s10, $0x1;
	s10 =	sld [smem:$0x3FB8];
	_ =	sdelay $0x3  }
0x37: {  	[smem:$0x3FB8] =	sst s10  }
0x38: {  	s10 =	sld [smem:$0x3FB9]  }
0x39: {  	_ = 	snop;
	(pc) =	sbr.ind lr, $3  }
0x3a: {  	_ = 	snop  }
0x3b: {  	_ = 	snop  }
0x3c: {  	p2 =	seq.s32 s10, $0x1;
	s10 =	sld [smem:$0x3FB8]  }
0x3d: {  	_ =	shalt  }
0x3e: {  	_ =	shalt  }
0x3f: {  	_ =	shalt  }
0x40: {  	_ =	shalt  }
0x41: {  	_ =	shalt  }
0x42: {  	_ =	shalt  }
0x43: {  	_ =	shalt  }
0x44: {  	_ =	shalt  }
0x45: {  	_ =	shalt  }
0x46: {  	_ =	shalt  }
0x47: {  	_ =	shalt  }
0x48: {  	_ =	shalt  }
0x49: {  	_ =	shalt  }
0x4a: {  	_ =	shalt  }
0x4b: {  	_ =	shalt  }
0x4c: {  	_ =	shalt  }
0x4d: {  	_ =	shalt  }
0x4e: {  	_ =	shalt  }
0x4f: {  	_ =	shalt  }
0x50: {  	_ =	shalt  }
0x51: {  	_ =	shalt  }
0x52: {  	_ =	shalt  }
0x53: {  	_ =	shalt  }
0x54: {  	_ =	shalt  }
0x55: {  	_ =	shalt  }
0x56: {  	_ =	shalt  }
0x57: {  	_ =	shalt  }
0x58: {  	_ =	shalt  }
0x59: {  	_ =	shalt  }
0x5a: {  	_ =	shalt  }
0x5b: {  	_ =	shalt  }
0x5c: {  	_ =	shalt  }
0x5d: {  	_ =	shalt  }
0x5e: {  	_ =	shalt  }
0x5f: {  	_ =	shalt  }
0x60: {  	_ =	shalt  }
0x61: {  	_ =	shalt  }
0x62: {  	_ =	shalt  }
0x63: {  	_ =	shalt  }
0x64: {  	_ =	shalt  }
0x65: {  	_ =	shalt  }
0x66: {  	_ =	shalt  }
0x67: {  	_ =	shalt  }
0x68: {  	_ =	shalt  }
0x69: {  	_ =	shalt  }
0x6a: {  	_ =	shalt  }
0x6b: {  	_ =	shalt  }
0x6c: {  	_ =	shalt  }
0x6d: {  	_ =	shalt  }
0x6e: {  	_ =	shalt  }
0x6f: {  	_ =	shalt  }
0x70: {  	_ =	shalt  }
0x71: {  	_ =	shalt  }
0x72: {  	_ =	shalt  }
0x73: {  	_ =	shalt  }
0x74: {  	_ =	shalt  }
0x75: {  	_ =	shalt  }
0x76: {  	_ =	shalt  }
0x77: {  	_ =	shalt  }
0x78: {  	_ =	shalt  }
0x79: {  	_ =	shalt  }
0x7a: {  	_ =	shalt  }
0x7b: {  	_ =	shalt  }
0x7c: {  	_ =	shalt  }
0x7d: {  	_ =	shalt  }
0x7e: {  	_ =	shalt  }
0x7f: {  	_ =	shalt  }
0x80: {  	_ =	shalt  }
0x81: {  	_ =	shalt  }
0x82: {  	_ =	shalt  }
0x83: {  	_ =	shalt  }
0x84: {  	_ =	shalt  }
0x85: {  	_ =	shalt  }
0x86: {  	_ =	shalt  }
0x87: {  	_ =	shalt  }
.Lfunc_end0:
.L_simem_size_0:
called_computation.1_lowered:
.L_overlay_start_0:
0x88: {  	s2 =	sld [smem:$0x3FD9]  }
0x89: {  	s3 =	sld [smem:$0x3FFE];
	_ =	sdelay $0x1  }
0x8a: {  	s1 =	srdreg.scid  }
0x8b: {  	s0 =	sand.u32 $0x1, s1  }
0x8c: {  	s17 =	sshll.u32 s0, $0xA;
	s2 =	sadd.s32 s3, s2  }
0x8d: {  	s2 =	sadd.s32 s2, s17  }
0x8e: {  	[smem:$0x3FC4] =	sst s2  }
0x8f: {  	_ = 	snop  }
0x90: {  	s2 =	sld [smem:$0x3FD0];
	(tm) =	ssettm $0x1  }
0x91: {  	s18 =	sld [smem:$0x3FFB];
	_ =	sdelay $0x3  }
0x92: {  	_ =	strace s18  }
0x93: {  	s3 =	sld [smem:$0x3FFC];
	_ =	sdelay $0x3  }
0x94: {  	_ =	strace s3  }
0x95: {  	s3 =	sld [smem:$0x3FFD];
	_ =	sdelay $0x3  }
0x96: {  	_ =	strace s3  }
0x97: {  	_ =	strace $0x8FFFFFFF  }
0x98: {  	s19 =	sld [smem:$0x3FDB];
	_ =	sdelay $0x1  }
0x99: {  	s4 =	simm.s32 $_scs_section_size  }
0x9a: {  	s5 =	simm.s32 $_size__tile_overlayer_lowered;
	s6 =	simm.s32 $_tile_overlayer_lowered  }
0x9b: {  	s22 =	simm.s32 $0x1BFF;
	s21 =	sshll.u32 s6, $0x1;
	s3 =	sadd.s32 s4, s19  }
0x9c: {  	s7 =	simm.s32 $0x0;
	s20 =	sshll.u32 s5, $0x1;
	s5 =	sadd.s32 s21, s3  }
0x9d: {  	[timem:s7], [sflag:s22] =	dma.local [hbm:s5], s20  }
0x9e: {  	_ =	swait.ge [sflag:s22], s20  }
0x9f: {  	s4 =	ssub.s32 $0x0, s20;
	[sflag:s22] =	ssyncset.done $0x0  }
0xa0: {  	[sflag:s22] =	ssyncadd.s32 s4;
	_ =	sdelay $0x1  }
0xa1: {  	s23 =	simm.s32 $0x1B8B  }
0xa2: {  	_ =	swait.ge [sflag:s23], $0x1  }
0xa3: {  	[sflag:s23] =	ssyncset.done $0x0  }
0xa4: {  	s25 =	simm.s32 $0x1B8E;
	s24 =	sld [smem:$0x3FFE];
	[sflag:s23] =	ssyncadd.s32 $0xFFFFFFFF  }
0xa5: {  	s26 =	simm.s32 $execute0_lowered;
	[smem:$0x3FD2] =	sst s25  }
0xa6: {  	s5 =	sshll.u32 s26, $0x1;
	_ =	strace $0x80000049;
	[dreg:$0x1] =	wrdreg $0xFFFFFFFF  }
0xa7: {  	s28 =	simm.s32 $_size_execute0_lowered;
	s3 =	sadd.s32 s3, s5;
	[dreg:$0x0] =	wrdreg $0x0  }
0xa8: {  	s5 =	sshll.u32 s28, $0x1;
	[dreg:$0x2] =	wrdreg s3  }
0xa9: {  	[dreg:$0x3] =	wrdreg s5  }
0xaa: {  	[dreg:$0x4] =	wrdreg $0xC0  }
0xab: {  	_ =	task [dreg:s7], $0x5FFFF  }
0xac: {  	[dreg:$0x1] =	wrdreg $0xFFFFFFFF  }
0xad: {  	[dreg:$0x0] =	wrdreg $0x60  }
0xae: {  	[dreg:$0x2] =	wrdreg s24  }
0xaf: {  	[dreg:$0x3] =	wrdreg s2  }
0xb0: {  	[dreg:$0x4] =	wrdreg $0x12A200  }
0xb1: {  	[dreg:$0x5] =	wrdreg $0x9  }
0xb2: {  	_ =	task.clear_ibuf [dreg:s7], $0x6FFFF;
	_ =	strace $0x90000049  }
0xb3: {  	s29 =	simm.s32 $0x9;
	_ =	strace $0x8000004B  }
0xb4: {  	_ =	swait.ge [sflag:s29], $0x1  }
0xb5: {  	[sflag:s29] =	ssyncadd.s32 $0xFFFFFFFF  }
0xb6: {  	_ =	strace $0x9000004B  }
0xb7: {  	_ =	sfence  }
0xb8: {  	s30 =	sld [smem:$0x0];
	_ =	sdelay $0x2  }
0xb9: {  	s31 =	sshll.u32 s1, $0xD;
	s1 =	sshrl.u32 s1, $0x2  }
0xba: {  	s3 =	sand.u32 $0x4000, s31;
	s1 =	sadd.s32 s1, s30  }
0xbb: {  	s0 =	sor.u32 s3, s0;
	s1 =	sshll.u32 s1, $0x11  }
0xbc: {  	s0 =	sor.u32 s1, s0  }
0xbd: {  	s0 =	sadd.s32 $0x8F2B, s0  }
0xbe: {  	[sflag:s0] =	ssyncadd.remote.s32 $0x1  }
0xbf: {  	_ =	sfence.sel $0xFFFF  }
0xc0: {  	[dreg:$0x0] =	wrdreg $0xFFFFFFFF;
	(pc) =	sbr.abs _section_cstart, $3  }
0xc1: {  	[dreg:$0x1] =	wrdreg $0xFFFFFFFF  }
0xc2: {  	_ =	task.clear_ibuf [dreg:s7], $0x2FFFF;
	_ =	strace $0x9FFFFFFF  }
0xc3: {  	(tm) =	ssettm $0x7FFFFFFF  }
tec
execute0_lowered:
.L_overlay_start_1:
0x0: {  	(tag) =	ssettag $0x1  }
0x1: {  	s0 =	rddreg [dreg:$0x0]  }
0x2: {  	s1 =	rddreg [dreg:$0x1]  }
0x3: {  	s2 =	rddreg [dreg:$0x2];
	s3 =	simm.s32 $0x0;
	s4 =	srdreg.scid  }
0x4: {  	s6 =	stileid.u32;
	s10 =	simm.s32 $0x2710;
	s11 =	simm.s32 $0x8A20  }
0x5: {  	s12 =	simm.s32 $0x9;
	s13 =	simm.s32 $0x1;
	s14 =	simm.s32 $0x2  }
0x6: {  	s15 =	simm.s32 $0x50;
	s16 =	simm.s32 $0x4E20;
	s17 =	simm.s32 $0x6220  }
0x7: {  	s18 =	simm.s32 $0x3;
	s20 =	simm.s32 $0x7620;
	s21 =	simm.s32 $0x4  }
0x8: {  	s22 =	simm.s32 $0x6;
	s23 =	simm.s32 $0x5;
	s24 =	simm.s32 $0x7  }
0x9: {  	s25 =	simm.s32 $0x8;
	s29 =	simm.s32 $0x4D30;
	s30 =	simm.s32 $0x26C0  }
0xa: {  	s31 =	simm.s32 $0x4D80;
	s5 =	sand.u32 $0x1, s4;
	s7 =	smul.u32 $0xA000, s6  }
0xb: {  	s26 =	sshll.u32 s6, $0x1;
	[smem:$0x7FF] =	sst s3;
	s28 =	smul.u32 $0xA0000, s5  }
0xc: {  	s4 =	sor.u32 s5, s26;
	_ =	strace $0x8000004A;
	s5 =	ssub.s32 $0x2, s5  }
0xd: {  	s8 =	smul.u32 $0x2710, s4;
	s4 =	sadd.s32 $0x1200, s0;
	s9 =	sshrl.u32 s5, $0x1  }
0xe: {  	s6 =	sadd.s32 s7, s28;
	s9 =	ssub.s32 s5, s9;
	s7 =	sadd.s32 s7, s2  }
0xf: {  	s6 =	sshrl.u32 s6, $0x3;
	s8 =	sshrl.u32 s8, $0x3;
	s9 =	smax.u32 s9, $0x1  }
0x10: {  	s0 =	sadd.s32 s6, s0;
	s5 =	sadd.s32 s1, s8;
	s1 =	simm.s32 $0x0  }
0x11: {  	v0 =	vimm.f32 $0.0e+00;
	s6 =	sadd.s32 $0x9C40, s5;
	s8 =	sadd.s32 $0x14C00, s0;
	s0 =	simm.s32 $0x4DD0  }
.LBB2_1:
0x12: {  	[tilespmem:s3], [sflag:$0x1] =	stream.linear.gather [hbm4b:s5+s3], $0x2710, $0x38;
	[tilespmem:$0x1CA20] =	vst v63  }
0x13: {  	s26 =	simm.s32 $0x100;
	s19 =	simm.s32 $0x0  }
0x14: {  	[tilespmem:s10], [sflag:$0x2] =	stream.linear.gather [hbm4b:s6+s3], $0x2710, $0x38;
	[tilespmem:$0x1CA20] =	vst v63  }
.LBB2_2:
0x15: {  	p0 =	sne.s32 s26, $0x27F00;
	[tilespmem:s19+$0x8A50] =	vst v0;
	s28 =	smov.u32 s26;
	s26 =	sadd.s32 $0x100, s26  }
.Ltmp0:
0x16: {  	[tilespmem:s19+$0x8A40] =	vst v0;
	(pc) =	sbr.rel @p0 .LBB2_2-.Ltmp0, $3  }
0x17: {  	[tilespmem:s19+$0x8A20] =	vst v0  }
0x18: {  	[tilespmem:s19+$0x8A30] =	vst v0;
	_ =	sdelay $0x1  }
0x19: {  	s19 =	sshra.s32 s28, $0x2  }
0x1a: {  	[tilespmem:s19+$0x8A50] =	vst v0  }
0x1b: {  	[tilespmem:s19+$0x8A40] =	vst v0  }
0x1c: {  	[tilespmem:s19+$0x8A20] =	vst v0  }
0x1d: {  	[tilespmem:s19+$0x8A30] =	vst v0  }
0x1e: {  	[spmem:s7] =	stream.linear.scatter [tilespmem:s11], [sflag:$0x9], $0xA000, $0x38;
	[tilespmem:$0x1CA20] =	vst v63  }
0x1f: {  	_ =	swait.ge [sflag:s12], $0xA000  }
0x20: {  	[sflag:s12] =	ssyncset.done $0x0  }
0x21: {  	[sflag:s12] =	ssyncadd.s32 $0xFFFF6000  }
0x22: {  	[bflag:$0x0] =	sbarrier.arrive $0xFFFF  }
0x23: {  	_ =	swait.ge [sflag:s13], $0x2710  }
0x24: {  	[sflag:s13] =	ssyncset.done $0x0  }
0x25: {  	[sflag:s13] =	ssyncadd.s32 $0xFFFFD8F0  }
0x26: {  	_ =	swait.ge [sflag:s14], $0x2710  }
0x27: {  	[sflag:s14] =	ssyncset.done $0x0  }
0x28: {  	s28 =	simm.s32 $0x0;
	[sflag:s14] =	ssyncadd.s32 $0xFFFFD8F0  }
0x29: {  	[tilespmem:s16], [sflag:$0x3] =	stream.indirect.gather [hbm4b:s4+s15], $0x40, s28, s15, $0xb8;
	[tilespmem:$0x1CA20] =	vst v63  }
0x2a: {  	_ = 	snop  }
0x2b: {  	[tilespmem:s17], [sflag:$0x4] =	stream.indirect.gather [hbm4b:s4+s15], $0x40, s15, s15, $0xb8;
	[tilespmem:$0x1CA20] =	vst v63  }
0x2c: {  	_ =	swait.ge [sflag:s18], $0x1400  }
0x2d: {  	[sflag:s18] =	ssyncset.done $0x0  }
0x2e: {  	[sflag:s18] =	ssyncadd.s32 $0xFFFFEC00  }
0x2f: {  	[spmem:s2] =	stream.indirect.scatter.add.f32 [tilespmem:s16], [sflag:$0x6], $0x40, s10, s15, $0xb8;
	[tilespmem:$0x1CA20] =	vst v63  }
0x30: {  	s26 =	simm.s32 $0xA0  }
0x31: {  	[tilespmem:s20], [sflag:$0x5] =	stream.indirect.gather [hbm4b:s4+s15], $0x40, s26, s15, $0xb8;
	[tilespmem:$0x1CA20] =	vst v63  }
0x32: {  	_ =	swait.ge [sflag:s21], $0x1400  }
0x33: {  	[sflag:s21] =	ssyncset.done $0x0  }
0x34: {  	s28 =	simm.s32 $0x2760;
	[sflag:s21] =	ssyncadd.s32 $0xFFFFEC00  }
0x35: {  	[spmem:s2] =	stream.indirect.scatter.add.f32 [tilespmem:s17], [sflag:$0x7], $0x40, s28, s15, $0xb8;
	[tilespmem:$0x1CA20] =	vst v63  }
0x36: {  	_ =	swait.ge [sflag:s22], $0x1400  }
0x37: {  	[sflag:s22] =	ssyncset.done $0x0  }
0x38: {  	s26 =	simm.s32 $0xF0;
	[sflag:s22] =	ssyncadd.s32 $0xFFFFEC00  }
0x39: {  	[tilespmem:s16], [sflag:$0x3] =	stream.indirect.gather [hbm4b:s4+s15], $0x40, s26, s15, $0xb8;
	[tilespmem:$0x1CA20] =	vst v63  }
0x3a: {  	_ =	swait.ge [sflag:s23], $0x1400  }
0x3b: {  	[sflag:s23] =	ssyncset.done $0x0  }
0x3c: {  	s28 =	simm.s32 $0x27B0;
	[sflag:s23] =	ssyncadd.s32 $0xFFFFEC00  }
0x3d: {  	[spmem:s2] =	stream.indirect.scatter.add.f32 [tilespmem:s20], [sflag:$0x8], $0x40, s28, s15, $0xb8;
	[tilespmem:$0x1CA20] =	vst v63  }
0x3e: {  	_ =	swait.ge [sflag:s24], $0x1400  }
0x3f: {  	[sflag:s24] =	ssyncset.done $0x0  }
0x40: {  	s26 =	simm.s32 $0x140;
	[sflag:s24] =	ssyncadd.s32 $0xFFFFEC00  }
0x41: {  	[tilespmem:s17], [sflag:$0x4] =	stream.indirect.gather [hbm4b:s4+s15], $0x40, s26, s15, $0xb8;
	[tilespmem:$0x1CA20] =	vst v63  }
0x42: {  	_ =	swait.ge [sflag:s18], $0x1400  }
0x43: {  	[sflag:s18] =	ssyncset.done $0x0  }
0x44: {  	s28 =	simm.s32 $0x2800;
	[sflag:s18] =	ssyncadd.s32 $0xFFFFEC00  }
0x45: {  	[spmem:s2] =	stream.indirect.scatter.add.f32 [tilespmem:s16], [sflag:$0x6], $0x40, s28, s15, $0xb8;
	[tilespmem:$0x1CA20] =	vst v63  }
0x46: {  	_ =	swait.ge [sflag:s25], $0x1400  }
0x47: {  	[sflag:s25] =	ssyncset.done $0x0  }
0x48: {  	s19 =	simm.s32 $0x3C0;
	s26 =	simm.s32 $0x190;
	[sflag:s25] =	ssyncadd.s32 $0xFFFFEC00  }
.LBB2_4:
0x49: {  	[tilespmem:s20], [sflag:$0x5] =	stream.indirect.gather [hbm4b:s4+s15], $0x40, s26, s15, $0xb8;
	[tilespmem:$0x1CA20] =	vst v63  }
0x4a: {  	s26 =	smov.u32 s19  }
0x4b: {  	p0 =	sne.s32 s19, $0x9240;
	s19 =	sadd.s32 $0x3C0, s19;
	_ =	swait.ge [sflag:s21], $0x1400  }
0x4c: {  	s26 =	sshra.s32 s26, $0x2;
	[sflag:s21] =	ssyncset.done $0x0  }
0x4d: {  	s28 =	sadd.s32 $0x2760, s26;
	[sflag:s21] =	ssyncadd.s32 $0xFFFFEC00  }
0x4e: {  	[spmem:s2] =	stream.indirect.scatter.add.f32 [tilespmem:s17], [sflag:$0x7], $0x40, s28, s15, $0xb8;
	[tilespmem:$0x1CA20] =	vst v63  }
0x4f: {  	_ =	swait.ge [sflag:s22], $0x1400  }
0x50: {  	[sflag:s22] =	ssyncset.done $0x0  }
0x51: {  	s28 =	sadd.s32 $0xF0, s26;
	[sflag:s22] =	ssyncadd.s32 $0xFFFFEC00  }
0x52: {  	[tilespmem:s16], [sflag:$0x3] =	stream.indirect.gather [hbm4b:s4+s15], $0x40, s28, s15, $0xb8;
	[tilespmem:$0x1CA20] =	vst v63  }
0x53: {  	_ =	swait.ge [sflag:s23], $0x1400  }
0x54: {  	[sflag:s23] =	ssyncset.done $0x0  }
0x55: {  	s28 =	sadd.s32 $0x27B0, s26;
	[sflag:s23] =	ssyncadd.s32 $0xFFFFEC00  }
0x56: {  	[spmem:s2] =	stream.indirect.scatter.add.f32 [tilespmem:s20], [sflag:$0x8], $0x40, s28, s15, $0xb8;
	[tilespmem:$0x1CA20] =	vst v63  }
0x57: {  	_ =	swait.ge [sflag:s24], $0x1400  }
0x58: {  	[sflag:s24] =	ssyncset.done $0x0  }
0x59: {  	s28 =	sadd.s32 $0x140, s26;
	[sflag:s24] =	ssyncadd.s32 $0xFFFFEC00  }
0x5a: {  	[tilespmem:s17], [sflag:$0x4] =	stream.indirect.gather [hbm4b:s4+s15], $0x40, s28, s15, $0xb8;
	[tilespmem:$0x1CA20] =	vst v63  }
0x5b: {  	_ =	swait.ge [sflag:s18], $0x1400  }
0x5c: {  	[sflag:s18] =	ssyncset.done $0x0  }
.Ltmp1:
0x5d: {  	s28 =	sadd.s32 $0x2800, s26;
	[sflag:s18] =	ssyncadd.s32 $0xFFFFEC00;
	(pc) =	sbr.rel @p0 .LBB2_4-.Ltmp1, $4  }
0x5e: {  	[spmem:s2] =	stream.indirect.scatter.add.f32 [tilespmem:s16], [sflag:$0x6], $0x40, s28, s15, $0xb8;
	[tilespmem:$0x1CA20] =	vst v63  }
0x5f: {  	_ =	swait.ge [sflag:s25], $0x1400  }
0x60: {  	[sflag:s25] =	ssyncset.done $0x0  }
0x61: {  	s26 =	sadd.s32 $0x190, s26;
	[sflag:s25] =	ssyncadd.s32 $0xFFFFEC00  }
0x62: {  	[tilespmem:s20], [sflag:$0x5] =	stream.indirect.gather [hbm4b:s4+s15], $0x40, s26, s15, $0xb8;
	[tilespmem:$0x1CA20] =	vst v63  }
0x63: {  	_ =	swait.ge [sflag:s21], $0x1400  }
0x64: {  	[sflag:s21] =	ssyncset.done $0x0  }
0x65: {  	s19 =	simm.s32 $0x4CE0;
	[sflag:s21] =	ssyncadd.s32 $0xFFFFEC00  }
0x66: {  	[spmem:s2] =	stream.indirect.scatter.add.f32 [tilespmem:s17], [sflag:$0x7], $0x40, s19, s15, $0xb8;
	[tilespmem:$0x1CA20] =	vst v63  }
0x67: {  	_ =	swait.ge [sflag:s22], $0x1400  }
0x68: {  	[sflag:s22] =	ssyncset.done $0x0  }
0x69: {  	s28 =	simm.s32 $0x2670;
	[sflag:s22] =	ssyncadd.s32 $0xFFFFEC00  }
0x6a: {  	[tilespmem:s16], [sflag:$0x3] =	stream.indirect.gather [hbm4b:s4+s15], $0x40, s28, s15, $0xb8;
	[tilespmem:$0x1CA20] =	vst v63  }
0x6b: {  	_ =	swait.ge [sflag:s23], $0x1400  }
0x6c: {  	[sflag:s23] =	ssyncset.done $0x0  }
0x6d: {  	[sflag:s23] =	ssyncadd.s32 $0xFFFFEC00  }
0x6e: {  	[spmem:s2] =	stream.indirect.scatter.add.f32 [tilespmem:s20], [sflag:$0x8], $0x40, s29, s15, $0xb8;
	[tilespmem:$0x1CA20] =	vst v63  }
0x6f: {  	_ =	swait.ge [sflag:s24], $0x1400  }
0x70: {  	[sflag:s24] =	ssyncset.done $0x0  }
0x71: {  	[sflag:s24] =	ssyncadd.s32 $0xFFFFEC00  }
0x72: {  	[tilespmem:s17], [sflag:$0x4] =	stream.indirect.gather [hbm4b:s4+s15], $0x40, s30, s15, $0xb8;
	[tilespmem:$0x1CA20] =	vst v63  }
0x73: {  	_ =	swait.ge [sflag:s18], $0x1400  }
0x74: {  	[sflag:s18] =	ssyncset.done $0x0  }
0x75: {  	[sflag:s18] =	ssyncadd.s32 $0xFFFFEC00  }
0x76: {  	[spmem:s2] =	stream.indirect.scatter.add.f32 [tilespmem:s16], [sflag:$0x6], $0x40, s31, s15, $0xb8;
	[tilespmem:$0x1CA20] =	vst v63  }
0x77: {  	_ =	swait.ge [sflag:s25], $0x1400  }
0x78: {  	[sflag:s25] =	ssyncset.done $0x0  }
0x79: {  	[sflag:s25] =	ssyncadd.s32 $0xFFFFEC00  }
0x7a: {  	_ =	swait.ge [sflag:s21], $0x1400  }
0x7b: {  	[sflag:s21] =	ssyncset.done $0x0  }
0x7c: {  	[sflag:s21] =	ssyncadd.s32 $0xFFFFEC00  }
0x7d: {  	[spmem:s2] =	stream.indirect.scatter.add.f32 [tilespmem:s17], [sflag:$0x7], $0x40, s0, s15, $0xb8;
	[tilespmem:$0x1CA20] =	vst v63  }
0x7e: {  	_ =	swait.ge [sflag:s22], $0x1400  }
0x7f: {  	[sflag:s22] =	ssyncset.done $0x0  }
0x80: {  	[sflag:s22] =	ssyncadd.s32 $0xFFFFEC00  }
0x81: {  	_ =	swait.ge [sflag:s24], $0x1400  }
0x82: {  	[sflag:s24] =	ssyncset.done $0x0  }
0x83: {  	[sflag:s24] =	ssyncadd.s32 $0xFFFFEC00  }
0x84: {  	[bflag:$0x0] =	sbarrier.arrive $0xFFFF  }
0x85: {  	[tilespmem:s11], [sflag:$0x9] =	stream.linear.gather [spmem:s7], $0xA000, $0x38;
	[tilespmem:$0x1CA20] =	vst v63  }
0x86: {  	s1 =	sadd.s32 $0x1, s1;
	_ =	swait.ge [sflag:s12], $0xA000  }
0x87: {  	p0 =	sne.s32 s1, s9;
	[sflag:s12] =	ssyncset.done $0x0  }
.Ltmp2:
0x88: {  	[sflag:s12] =	ssyncadd.s32 $0xFFFF6000;
	(pc) =	sbr.rel @p0 .LBB2_1-.Ltmp2, $4  }
0x89: {  	[hbm4b:s8+s3] =	stream.linear.scatter [tilespmem:s11], [sflag:$0x9], $0xA000, $0x38;
	[tilespmem:$0x1CA20] =	vst v63  }
0x8a: {  	_ =	swait.ge [sflag:s12], $0xA000  }
0x8b: {  	[sflag:s12] =	ssyncset.done $0x0  }
0x8c: {  	[sflag:s12] =	ssyncadd.s32 $0xFFFF6000  }
0x8d: {  	_ =	sfence.sel $0x180000  }
0x8e: {  	[bflag:$0x0] =	sbarrier.arrive $0xFFFF  }
0x8f: {  	_ =	strace $0x9000004A  }
0x90: {  	s0 =	stileid.u32;
	[bflag:$0x2] =	sbarrier.arrive $0xFFFF  }
0x91: {  	p0 =	sne.s32 s0, $0x0;
	s0 =	rddreg [dreg:$0x3]  }
0x92: {  	s0 =	sadd.s32 @!p0 $0x100000, s0  }
0x93: {  	[sflag:s0] =	ssyncadd.tile.s32 @!p0 $0x1;
	_ =	shalt  }
.Lfunc_end2:
_tile_overlayer_lowered:
.L_overlay_start_2:
0x94: {  	(tag) =	ssettag $0x2  }
0x95: {  	s0 =	rddreg [dreg:$0x0];
	s2 =	stileid.u32  }
0x96: {  	s1 =	rddreg [dreg:$0x1];
	p0 =	sne.s32 s2, $0x0  }
0x97: {  	s3 =	rddreg [dreg:$0x2];
	[bflag:$0x3] =	sbarrier.arrive $0xFFFF;
	s2 =	simm.s32 @!p0 $0x1C09  }
0x98: {  	[timem:s3], [sflag:s2] =	dma.local @!p0 [hbm:s0], s1  }
0x99: {  	s0 =	simm.s32 @!p0 $0x9  }
0x9a: {  	_ =	swait.ge @!p0 [sflag:s0], s1  }
0x9b: {  	s1 =	ssub.s32 @!p0 $0x0, s1;
	[sflag:s0] =	ssyncset.done @!p0 $0x0  }
0x9c: {  	[sflag:s0] =	ssyncadd.s32 @!p0 s1  }
0x9d: {  	[bflag:$0x3] =	sbarrier.arrive $0xFFFF  }
0x9e: {  	_ =	shalt  }

</sc_bundles>
